<compile_context>
chip_gen: v7x
topology: tpu7x:2x2x1
jax: 0.10.2.dev20260603
libtpu: 0.0.44.dev20260713+nightly
codegen_flags: <defaults>
</compile_context>

<pallas_src>
import functools

import jax
import jax.numpy as jnp
from jax import lax
from jax.experimental import pallas as pl
from jax.experimental.pallas import tpu as pltpu
from jax.experimental.pallas import tpu_sc as plsc

N = 10000
D_IN = 128
D_HID = 64
DP = 128
E = 320000

NC = 2
NS = 16
NW = NC * NS
EPW = E // NW
CHUNK = 80
NCHUNK = EPW // CHUNK
RPS = N // NS
ZROWS = 125
ZROWS_A = 25
ROUT = 624
DEG_W = 128

_mesh = plsc.VectorSubcoreMesh(core_axis_name="c", subcore_axis_name="s")


@functools.partial(
    pl.kernel,
    out_type=jax.ShapeDtypeStruct((NC, N, DEG_W), jnp.float32),
    mesh=_mesh,
    scratch_types=[
        pltpu.VMEM((CHUNK, DEG_W), jnp.float32),
        pltpu.VMEM((NCHUNK, CHUNK), jnp.int32),
        pltpu.VMEM((ZROWS, DEG_W), jnp.float32),
        pltpu.VMEM_SHARED((N, DEG_W), jnp.float32),
        pltpu.SemaphoreType.DMA,
    ],
)
def _deg_kernel(dst3_hbm, out_hbm, ones_v, didx_all, zbuf, acc_sh, sem):
    c = lax.axis_index("c")
    s = lax.axis_index("s")
    w = c * NS + s
    one16 = jnp.full((16,), 1.0, jnp.float32)
    zero16 = jnp.zeros((16,), jnp.float32)

    pltpu.async_copy(dst3_hbm.at[w], didx_all, sem)

    @pl.loop(0, CHUNK)
    def _(i):
        @pl.loop(0, DEG_W // 16)
        def _(j):
            ones_v[i, pl.ds(j * 16, 16)] = one16

    @pl.loop(0, ZROWS)
    def _(i):
        @pl.loop(0, DEG_W // 16)
        def _(j):
            zbuf[i, pl.ds(j * 16, 16)] = zero16

    @pl.loop(0, RPS // ZROWS)
    def _(j):
        pltpu.sync_copy(zbuf, acc_sh.at[pl.ds(s * RPS + j * ZROWS, ZROWS)])

    pltpu.make_async_copy(dst3_hbm.at[w], didx_all, sem).wait()
    plsc.subcore_barrier()

    for k in range(5):
        pltpu.async_copy(ones_v, acc_sh.at[didx_all.at[k]], sem, add=True)

    @pl.loop(5, NCHUNK)
    def _(i):
        pltpu.async_copy(ones_v, acc_sh.at[didx_all.at[i]], sem, add=True)
        pltpu.make_async_copy(ones_v, acc_sh.at[didx_all.at[0]], sem).wait()

    for k in range(5):
        pltpu.make_async_copy(ones_v, acc_sh.at[didx_all.at[0]], sem).wait()

    plsc.subcore_barrier()
    pltpu.sync_copy(acc_sh.at[pl.ds(s * ROUT, ROUT)],
                    out_hbm.at[c].at[pl.ds(s * ROUT, ROUT)])

    @pl.when(s == NS - 1)
    def _():
        pltpu.sync_copy(acc_sh.at[pl.ds(NS * ROUT, N - NS * ROUT)],
                        out_hbm.at[c].at[pl.ds(NS * ROUT, N - NS * ROUT)])


@functools.partial(
    pl.kernel,
    out_type=jax.ShapeDtypeStruct((NC, N, DP), jnp.float32),
    mesh=_mesh,
    scratch_types=[
        pltpu.VMEM((EPW,), jnp.int32),
        pltpu.VMEM((NCHUNK, CHUNK), jnp.int32),
        pltpu.VMEM((CHUNK, DP), jnp.float32),
        pltpu.VMEM((CHUNK, DP), jnp.float32),
        pltpu.VMEM((ZROWS_A, DP), jnp.float32),
        pltpu.VMEM_SHARED((N, DP), jnp.float32),
        pltpu.SemaphoreType.DMA,
        pltpu.SemaphoreType.DMA,
        pltpu.SemaphoreType.DMA,
    ],
)
def _agg_kernel(y_hbm, src2_hbm, dst3_hbm, out_hbm, sidx_all, didx_all,
                rows_a, rows_b, zbuf, acc_sh, isem, sema, semb):
    c = lax.axis_index("c")
    s = lax.axis_index("s")
    w = c * NS + s
    zero16 = jnp.zeros((16,), jnp.float32)

    pltpu.async_copy(src2_hbm.at[w], sidx_all, isem)
    pltpu.async_copy(dst3_hbm.at[w], didx_all, isem)

    @pl.loop(0, ZROWS_A)
    def _(i):
        @pl.loop(0, DP // 16)
        def _(j):
            zbuf[i, pl.ds(j * 16, 16)] = zero16

    @pl.loop(0, RPS // ZROWS_A)
    def _(j):
        pltpu.sync_copy(zbuf, acc_sh.at[pl.ds(s * RPS + j * ZROWS_A, ZROWS_A)])

    pltpu.make_async_copy(src2_hbm.at[w], sidx_all, isem).wait()
    pltpu.make_async_copy(dst3_hbm.at[w], didx_all, isem).wait()
    plsc.subcore_barrier()

    def gather(i, buf, sem):
        pltpu.async_copy(y_hbm.at[sidx_all.at[pl.ds(i * CHUNK, CHUNK)]],
                         buf, sem)

    def wait_gather(buf, sem):
        pltpu.make_async_copy(y_hbm.at[pl.ds(0, CHUNK)], buf, sem).wait()

    def scat(i, buf):
        pltpu.sync_copy(buf, acc_sh.at[didx_all.at[i]], add=True)

    gather(0, rows_a, sema)
    gather(1, rows_b, semb)

    @pl.loop(0, (NCHUNK - 3) // 2)
    def _(j):
        i = 2 * j
        wait_gather(rows_a, sema)
        scat(i, rows_a)
        gather(i + 2, rows_a, sema)
        wait_gather(rows_b, semb)
        scat(i + 1, rows_b)
        gather(i + 3, rows_b, semb)

    wait_gather(rows_a, sema)
    scat(NCHUNK - 3, rows_a)
    gather(NCHUNK - 1, rows_a, sema)
    wait_gather(rows_b, semb)
    scat(NCHUNK - 2, rows_b)
    wait_gather(rows_a, sema)
    scat(NCHUNK - 1, rows_a)

    plsc.subcore_barrier()
    pltpu.sync_copy(acc_sh.at[pl.ds(s * ROUT, ROUT)],
                    out_hbm.at[c].at[pl.ds(s * ROUT, ROUT)])

    @pl.when(s == NS - 1)
    def _():
        pltpu.sync_copy(acc_sh.at[pl.ds(NS * ROUT, N - NS * ROUT)],
                        out_hbm.at[c].at[pl.ds(NS * ROUT, N - NS * ROUT)])


def _tc1_body(x_ref, w1_ref, dega_ref, y1_ref, dis_ref):
    deg = 1.0 + dega_ref[0, :, 0:1] + dega_ref[1, :, 0:1]
    dis = lax.rsqrt(deg)
    xw = jnp.dot(x_ref[...], w1_ref[...], preferred_element_type=jnp.float32)
    y1_ref[...] = xw * dis
    dis_ref[...] = dis


_tc1 = pl.pallas_call(
    _tc1_body,
    out_shape=(
        jax.ShapeDtypeStruct((N, DP), jnp.float32),
        jax.ShapeDtypeStruct((N, 1), jnp.float32),
    ),
)


def _tc2_body(aggp_ref, y1_ref, dis_ref, b1_ref, w2_ref, y2_ref):
    agg = aggp_ref[0] + aggp_ref[1] + y1_ref[...]
    h = jnp.maximum(dis_ref[...] * agg + b1_ref[...], 0.0)
    y2_ref[...] = (
        jnp.dot(h, w2_ref[...], preferred_element_type=jnp.float32)
        * dis_ref[...]
    )


_tc2 = pl.pallas_call(
    _tc2_body,
    out_shape=jax.ShapeDtypeStruct((N, DP), jnp.float32),
)


def _tc3_body(aggp_ref, y2_ref, dis_ref, b2_ref, wfc_ref, bfc_ref, out_ref):
    agg = aggp_ref[0] + aggp_ref[1] + y2_ref[...]
    h = jnp.maximum(dis_ref[...] * agg + b2_ref[...], 0.0)
    out_ref[...] = (
        jnp.dot(h, wfc_ref[...], preferred_element_type=jnp.float32)
        + bfc_ref[...]
    )


_tc3 = pl.pallas_call(
    _tc3_body,
    out_shape=jax.ShapeDtypeStruct((N, 1), jnp.float32),
)


@jax.jit
def kernel(x, edge_index, W1, b1, W2, b2, Wfc, bfc):
    ei = edge_index.astype(jnp.int32)
    src2 = ei[0].reshape(NW, EPW)
    dst3 = ei[1].reshape(NW, NCHUNK, CHUNK)

    w1p = jnp.pad(W1, ((0, 0), (0, DP - D_HID)))
    w2p = jnp.pad(W2, ((0, DP - D_HID), (0, DP - D_HID)))
    b1p = jnp.pad(b1, (0, DP - D_HID))
    b2p = jnp.pad(b2, (0, DP - D_HID))
    wfcp = jnp.pad(Wfc, ((0, DP - D_HID), (0, 0)))

    dega = _deg_kernel(dst3)
    y1, dis = _tc1(x, w1p, dega)
    agg1 = _agg_kernel(y1, src2, dst3)
    y2 = _tc2(agg1, y1, dis, b1p, w2p)
    agg2 = _agg_kernel(y2, src2, dst3)
    return _tc3(agg2, y2, dis, b2p, wfcp, bfc)

# --- scband reference (transcript-rebuilt; emitter-appended) ---
"""Pipeline reference for scband-gcnrecommendation-model-26852135535047 (READ-ONLY COPY).

The authoritative reference and input builder live on the scoring server;
editing this copy changes nothing except your own understanding.
"""

import jax, jax.numpy as jnp
import numpy as np

N_NODES = 10000
D_IN = 128
D_HID = 64
D_OUT = 1
N_EDGES = 320000


def gcn_conv(x, edge_index, W, b):
    n = x.shape[0]
    xw = x @ W
    loop = jnp.arange(n, dtype=edge_index.dtype)
    src = jnp.concatenate([edge_index[0], loop])
    dst = jnp.concatenate([edge_index[1], loop])
    deg = jnp.zeros((n,), dtype=xw.dtype).at[dst].add(1.0)
    dis = jnp.where(deg > 0, jax.lax.rsqrt(deg), 0.0)
    norm = dis[src] * dis[dst]
    msg = xw[src] * norm[:, None]
    out = jnp.zeros((n, xw.shape[1]), dtype=xw.dtype).at[dst].add(msg)
    return out + b


def setup_inputs(seed: int = 0) -> dict:
    key = jax.random.key(seed)
    k = jax.random.split(key, 8)
    x = jax.random.normal(k[0], (N_NODES, D_IN), dtype=jnp.float32)
    edge_index = jax.random.randint(k[1], (2, N_EDGES), 0, N_NODES, dtype=jnp.int64)
    W1 = jax.random.normal(k[2], (D_IN, D_HID), dtype=jnp.float32) * (1.0 / np.sqrt(D_IN))
    b1 = jnp.zeros((D_HID,), dtype=jnp.float32)
    W2 = jax.random.normal(k[3], (D_HID, D_HID), dtype=jnp.float32) * (1.0 / np.sqrt(D_HID))
    b2 = jnp.zeros((D_HID,), dtype=jnp.float32)
    Wfc = jax.random.normal(k[4], (D_HID, D_OUT), dtype=jnp.float32) * (1.0 / np.sqrt(D_HID))
    bfc = jnp.zeros((D_OUT,), dtype=jnp.float32)
    return {"x": x, "edge_index": edge_index, "W1": W1, "b1": b1, "W2": W2, "b2": b2, "Wfc": Wfc, "bfc": bfc}


def reference(x, edge_index, W1, b1, W2, b2, Wfc, bfc):
    h = gcn_conv(x, edge_index, W1, b1)
    h = jax.nn.relu(h)
    # dropout is identity at inference
    h = gcn_conv(h, edge_index, W2, b2)
    h = jax.nn.relu(h)
    return h @ Wfc + bfc

if __name__ == "__main__":
    import jax
    _d = setup_inputs()
    print(jax.jit(kernel)(*tuple(_d.values())))

</pallas_src>

<mosaic_0001>
#map = affine_map<(d0, d1) -> (0, 0)>
#map1 = affine_map<(d0, d1) -> (0, 0, 0)>
module attributes {stable_mosaic.version = 14 : i64} {
  func.func @_agg_kernel(%arg0: i32, %arg1: i32, %arg2: memref<10000x128xf32, #tpu.memory_space<hbm>>, %arg3: memref<32x10000xi32, #tpu.memory_space<hbm>>, %arg4: memref<32x125x80xi32, #tpu.memory_space<hbm>>, %arg5: memref<2x10000x128xf32, #tpu.memory_space<hbm>>, %arg6: memref<10000xi32, #tpu.memory_space<vmem>>, %arg7: memref<125x80xi32, #tpu.memory_space<vmem>>, %arg8: memref<80x128xf32, #tpu.memory_space<vmem>>, %arg9: memref<80x128xf32, #tpu.memory_space<vmem>>, %arg10: memref<25x128xf32, #tpu.memory_space<vmem>>, %arg11: memref<10000x128xf32, #tpu.memory_space<vmem_shared>>, %arg12: memref<!tpu.dma_semaphore, #tpu.memory_space<semaphore_mem>>, %arg13: memref<!tpu.dma_semaphore, #tpu.memory_space<semaphore_mem>>, %arg14: memref<!tpu.dma_semaphore, #tpu.memory_space<semaphore_mem>>) attributes {dimension_semantics = [#tpu.dimension_semantics<core_parallel>, #tpu.dimension_semantics<subcore_parallel>], iteration_bounds = array<i64: 2, 16>, scalar_prefetch = 0 : i64, scratch_operands = 9 : i64, tpu.core_type = #tpu.core_type<sc_vector_subcore>, window_params = [{transform_indices = #map}, {transform_indices = #map}, {transform_indices = #map1}, {transform_indices = #map1}]} {
    %mul3A = arith.constant 16 : i32
    %mul3A_0 = arith.muli %arg0, %mul3A : i32
    %add3A = arith.addi %mul3A_0, %arg1 : i32
    %broadcast_in_dim3A = arith.constant 0.000000e+00 : f32
    %broadcast_in_dim3A_1 = vector.broadcast %broadcast_in_dim3A : f32 to vector<16xf32>
    %dma_start3A = arith.constant 0 : i32
    %dma_start3A_2 = tpu.memref_slice %arg3[%add3A, %dma_start3A] : memref<32x10000xi32, #tpu.memory_space<hbm>> -> memref<1x10000xi32, #tpu.memory_space<hbm>>
    %dma_start3A_3 = tpu.memref_squeeze %dma_start3A_2 : memref<1x10000xi32, #tpu.memory_space<hbm>> -> memref<10000xi32, #tpu.memory_space<hbm>>
    %dma_start3A_4 = arith.constant 0 : i32
    %dma_start3A_5 = tpu.memref_slice %arg3[%add3A, %dma_start3A_4] : memref<32x10000xi32, #tpu.memory_space<hbm>> -> memref<1x10000xi32, #tpu.memory_space<hbm>>
    %dma_start3A_6 = tpu.memref_squeeze %dma_start3A_5 : memref<1x10000xi32, #tpu.memory_space<hbm>> -> memref<10000xi32, #tpu.memory_space<hbm>>
    tpu.enqueue_dma source(%dma_start3A_6 : memref<10000xi32, #tpu.memory_space<hbm>>) target(%arg6 : memref<10000xi32, #tpu.memory_space<vmem>>) target_semaphore(%arg12 : memref<!tpu.dma_semaphore, #tpu.memory_space<semaphore_mem>>)
    %dma_start3A_7 = arith.constant 0 : i32
    %dma_start3A_8 = arith.constant 0 : i32
    %dma_start3A_9 = tpu.memref_slice %arg4[%add3A, %dma_start3A_7, %dma_start3A_8] : memref<32x125x80xi32, #tpu.memory_space<hbm>> -> memref<1x125x80xi32, #tpu.memory_space<hbm>>
    %dma_start3A_10 = tpu.memref_squeeze %dma_start3A_9 : memref<1x125x80xi32, #tpu.memory_space<hbm>> -> memref<125x80xi32, #tpu.memory_space<hbm>>
    %dma_start3A_11 = arith.constant 0 : i32
    %dma_start3A_12 = arith.constant 0 : i32
    %dma_start3A_13 = tpu.memref_slice %arg4[%add3A, %dma_start3A_11, %dma_start3A_12] : memref<32x125x80xi32, #tpu.memory_space<hbm>> -> memref<1x125x80xi32, #tpu.memory_space<hbm>>
    %dma_start3A_14 = tpu.memref_squeeze %dma_start3A_13 : memref<1x125x80xi32, #tpu.memory_space<hbm>> -> memref<125x80xi32, #tpu.memory_space<hbm>>
    tpu.enqueue_dma source(%dma_start3A_14 : memref<125x80xi32, #tpu.memory_space<hbm>>) target(%arg7 : memref<125x80xi32, #tpu.memory_space<vmem>>) target_semaphore(%arg12 : memref<!tpu.dma_semaphore, #tpu.memory_space<semaphore_mem>>)
    %scan3A = arith.constant 0 : i32
    %scan3A_15 = arith.constant 25 : i32
    %scan3A_16 = arith.addi %scan3A, %scan3A_15 : i32
    %scan3A_17 = arith.constant 1 : i32
    scf.for %scan3A_84 = %scan3A to %scan3A_16 step %scan3A_17  : i32 {
      %mul3A_85 = arith.constant 1 : i32
      %mul3A_86 = arith.muli %scan3A_84, %mul3A_85 : i32
      %add3A_87 = arith.constant 0 : i32
      %add3A_88 = arith.addi %add3A_87, %mul3A_86 : i32
      %scan3A_89 = arith.constant 0 : i32
      %scan3A_90 = arith.constant 8 : i32
      %scan3A_91 = arith.addi %scan3A_89, %scan3A_90 : i32
      %scan3A_92 = arith.constant 1 : i32
      scf.for %scan3A_94 = %scan3A_89 to %scan3A_91 step %scan3A_92  : i32 {
        %mul3A_95 = arith.constant 1 : i32
        %mul3A_96 = arith.muli %scan3A_94, %mul3A_95 : i32
        %add3A_97 = arith.constant 0 : i32
        %add3A_98 = arith.addi %add3A_97, %mul3A_96 : i32
        %mul3A_99 = arith.constant 16 : i32
        %mul3A_100 = arith.muli %add3A_98, %mul3A_99 : i32
        %swap3A = arith.index_cast %add3A_88 : i32 to index
        %swap3A_101 = arith.index_cast %mul3A_100 : i32 to index
        %swap3A_102 = tpu.vector_load %arg10[%swap3A, %swap3A_101] {strides = array<i32>} : memref<25x128xf32, #tpu.memory_space<vmem>>, vector<1x16xf32>,
        %swap3A_103 = vector.shape_cast %swap3A_102 : vector<1x16xf32> to vector<16xf32>
        %swap3A_104 = vector.shape_cast %broadcast_in_dim3A_1 : vector<16xf32> to vector<1x16xf32>
        tpu.vector_store %arg10[%swap3A, %swap3A_101], %swap3A_104 {strides = array<i32>} : memref<25x128xf32, #tpu.memory_space<vmem>>, vector<1x16xf32>,
      }
      %scan3A_93 = arith.constant 8 : i32
    }
    %scan3A_18 = arith.constant 25 : i32
    %scan3A_19 = arith.constant 0 : i32
    %scan3A_20 = arith.constant 25 : i32
    %scan3A_21 = arith.addi %scan3A_19, %scan3A_20 : i32
    %scan3A_22 = arith.constant 1 : i32
    scf.for %scan3A_84 = %scan3A_19 to %scan3A_21 step %scan3A_22  : i32 {
      %mul3A_85 = arith.constant 1 : i32
      %mul3A_86 = arith.muli %scan3A_84, %mul3A_85 : i32
      %add3A_87 = arith.constant 0 : i32
      %add3A_88 = arith.addi %add3A_87, %mul3A_86 : i32
      %mul3A_89 = arith.constant 625 : i32
      %mul3A_90 = arith.muli %arg1, %mul3A_89 : i32
      %mul3A_91 = arith.constant 25 : i32
      %mul3A_92 = arith.muli %add3A_88, %mul3A_91 : i32
      %add3A_93 = arith.addi %mul3A_90, %mul3A_92 : i32
      "tpu.region"() ({
        %run_scoped3A_94 = tpu.sem_alloc : memref<!tpu.dma_semaphore, #tpu.memory_space<semaphore_mem>>
        %dma_start3A_95 = arith.constant 0 : i32
        %dma_start3A_96 = tpu.memref_slice %arg11[%add3A_93, %dma_start3A_95] : memref<10000x128xf32, #tpu.memory_space<vmem_shared>> -> memref<25x128xf32, #tpu.memory_space<vmem_shared>>
        %dma_start3A_97 = arith.constant 0 : i32
        %dma_start3A_98 = tpu.memref_slice %arg11[%add3A_93, %dma_start3A_97] : memref<10000x128xf32, #tpu.memory_space<vmem_shared>> -> memref<25x128xf32, #tpu.memory_space<vmem_shared>>
        tpu.enqueue_dma source(%arg10 : memref<25x128xf32, #tpu.memory_space<vmem>>) target(%dma_start3A_98 : memref<25x128xf32, #tpu.memory_space<vmem_shared>>) target_semaphore(%run_scoped3A_94 : memref<!tpu.dma_semaphore, #tpu.memory_space<semaphore_mem>>)
        %dma_wait3A_99 = arith.constant 0 : i32
        %dma_wait3A_100 = tpu.memref_slice %arg11[%add3A_93, %dma_wait3A_99] : memref<10000x128xf32, #tpu.memory_space<vmem_shared>> -> memref<25x128xf32, #tpu.memory_space<vmem_shared>>
        %dma_wait3A_101 = arith.constant 0 : i32
        %dma_wait3A_102 = tpu.memref_slice %arg11[%add3A_93, %dma_wait3A_101] : memref<10000x128xf32, #tpu.memory_space<vmem_shared>> -> memref<25x128xf32, #tpu.memory_space<vmem_shared>>
        tpu.wait_dma2 semaphore(%run_scoped3A_94 : memref<!tpu.dma_semaphore, #tpu.memory_space<semaphore_mem>>) src(%arg10 : memref<25x128xf32, #tpu.memory_space<vmem>>) dst(%dma_wait3A_102 : memref<25x128xf32, #tpu.memory_space<vmem_shared>>)
        tpu.yield
      }) : () -> ()
    }
    %scan3A_23 = arith.constant 25 : i32
    %dma_wait3A = arith.constant 0 : i32
    %dma_wait3A_24 = tpu.memref_slice %arg3[%add3A, %dma_wait3A] : memref<32x10000xi32, #tpu.memory_space<hbm>> -> memref<1x10000xi32, #tpu.memory_space<hbm>>
    %dma_wait3A_25 = tpu.memref_squeeze %dma_wait3A_24 : memref<1x10000xi32, #tpu.memory_space<hbm>> -> memref<10000xi32, #tpu.memory_space<hbm>>
    %dma_wait3A_26 = arith.constant 0 : i32
    %dma_wait3A_27 = tpu.memref_slice %arg3[%add3A, %dma_wait3A_26] : memref<32x10000xi32, #tpu.memory_space<hbm>> -> memref<1x10000xi32, #tpu.memory_space<hbm>>
    %dma_wait3A_28 = tpu.memref_squeeze %dma_wait3A_27 : memref<1x10000xi32, #tpu.memory_space<hbm>> -> memref<10000xi32, #tpu.memory_space<hbm>>
    tpu.wait_dma2 semaphore(%arg12 : memref<!tpu.dma_semaphore, #tpu.memory_space<semaphore_mem>>) src(%dma_wait3A_28 : memref<10000xi32, #tpu.memory_space<hbm>>) dst(%arg6 : memref<10000xi32, #tpu.memory_space<vmem>>)
    %dma_wait3A_29 = arith.constant 0 : i32
    %dma_wait3A_30 = arith.constant 0 : i32
    %dma_wait3A_31 = tpu.memref_slice %arg4[%add3A, %dma_wait3A_29, %dma_wait3A_30] : memref<32x125x80xi32, #tpu.memory_space<hbm>> -> memref<1x125x80xi32, #tpu.memory_space<hbm>>
    %dma_wait3A_32 = tpu.memref_squeeze %dma_wait3A_31 : memref<1x125x80xi32, #tpu.memory_space<hbm>> -> memref<125x80xi32, #tpu.memory_space<hbm>>
    %dma_wait3A_33 = arith.constant 0 : i32
    %dma_wait3A_34 = arith.constant 0 : i32
    %dma_wait3A_35 = tpu.memref_slice %arg4[%add3A, %dma_wait3A_33, %dma_wait3A_34] : memref<32x125x80xi32, #tpu.memory_space<hbm>> -> memref<1x125x80xi32, #tpu.memory_space<hbm>>
    %dma_wait3A_36 = tpu.memref_squeeze %dma_wait3A_35 : memref<1x125x80xi32, #tpu.memory_space<hbm>> -> memref<125x80xi32, #tpu.memory_space<hbm>>
    tpu.wait_dma2 semaphore(%arg12 : memref<!tpu.dma_semaphore, #tpu.memory_space<semaphore_mem>>) src(%dma_wait3A_36 : memref<125x80xi32, #tpu.memory_space<hbm>>) dst(%arg7 : memref<125x80xi32, #tpu.memory_space<vmem>>)
    %barrier3A = arith.constant 0 : index
    tpu.barrier barrier_id(%barrier3A)
    %dma_start3A_37 = arith.constant 0 : i32
    %dma_start3A_38 = tpu.memref_slice %arg6[%dma_start3A_37] : memref<10000xi32, #tpu.memory_space<vmem>> -> memref<80xi32, #tpu.memory_space<vmem>>
    %dma_start3A_39 = arith.constant 0 : i32
    %dma_start3A_40 = arith.constant 0 : i32
    %dma_start3A_41 = tpu.memref_slice %arg2[%dma_start3A_39, %dma_start3A_40] : memref<10000x128xf32, #tpu.memory_space<hbm>> -> memref<10000x128xf32, #tpu.memory_space<hbm>>
    tpu.enqueue_indirect_dma source(%dma_start3A_41 : memref<10000x128xf32, #tpu.memory_space<hbm>>) target(%arg8 : memref<80x128xf32, #tpu.memory_space<vmem>>) offsets(%dma_start3A_38 : memref<80xi32, #tpu.memory_space<vmem>>) semaphore(%arg13 : memref<!tpu.dma_semaphore, #tpu.memory_space<semaphore_mem>>)
    %dma_start3A_42 = arith.constant 80 : i32
    %dma_start3A_43 = tpu.memref_slice %arg6[%dma_start3A_42] : memref<10000xi32, #tpu.memory_space<vmem>> -> memref<80xi32, #tpu.memory_space<vmem>>
    %dma_start3A_44 = arith.constant 0 : i32
    %dma_start3A_45 = arith.constant 0 : i32
    %dma_start3A_46 = tpu.memref_slice %arg2[%dma_start3A_44, %dma_start3A_45] : memref<10000x128xf32, #tpu.memory_space<hbm>> -> memref<10000x128xf32, #tpu.memory_space<hbm>>
    tpu.enqueue_indirect_dma source(%dma_start3A_46 : memref<10000x128xf32, #tpu.memory_space<hbm>>) target(%arg9 : memref<80x128xf32, #tpu.memory_space<vmem>>) offsets(%dma_start3A_43 : memref<80xi32, #tpu.memory_space<vmem>>) semaphore(%arg14 : memref<!tpu.dma_semaphore, #tpu.memory_space<semaphore_mem>>)
    %scan3A_47 = arith.constant 0 : i32
    %scan3A_48 = arith.constant 61 : i32
    %scan3A_49 = arith.addi %scan3A_47, %scan3A_48 : i32
    %scan3A_50 = arith.constant 1 : i32
    scf.for %scan3A_84 = %scan3A_47 to %scan3A_49 step %scan3A_50  : i32 {
      %mul3A_85 = arith.constant 1 : i32
      %mul3A_86 = arith.muli %scan3A_84, %mul3A_85 : i32
      %add3A_87 = arith.constant 0 : i32
      %add3A_88 = arith.addi %add3A_87, %mul3A_86 : i32
      %mul3A_89 = arith.constant 2 : i32
      %mul3A_90 = arith.muli %mul3A_89, %add3A_88 : i32
      %dma_wait3A_91 = arith.constant 0 : i32
      %dma_wait3A_92 = arith.constant 0 : i32
      %dma_wait3A_93 = tpu.memref_slice %arg2[%dma_wait3A_91, %dma_wait3A_92] : memref<10000x128xf32, #tpu.memory_space<hbm>> -> memref<80x128xf32, #tpu.memory_space<hbm>>
      %dma_wait3A_94 = arith.constant 0 : i32
      %dma_wait3A_95 = arith.constant 0 : i32
      %dma_wait3A_96 = tpu.memref_slice %arg2[%dma_wait3A_94, %dma_wait3A_95] : memref<10000x128xf32, #tpu.memory_space<hbm>> -> memref<80x128xf32, #tpu.memory_space<hbm>>
      tpu.wait_dma2 semaphore(%arg13 : memref<!tpu.dma_semaphore, #tpu.memory_space<semaphore_mem>>) src(%dma_wait3A_96 : memref<80x128xf32, #tpu.memory_space<hbm>>) dst(%arg8 : memref<80x128xf32, #tpu.memory_space<vmem>>)
      "tpu.region"() ({
        %run_scoped3A_121 = tpu.sem_alloc : memref<!tpu.dma_semaphore, #tpu.memory_space<semaphore_mem>>
        %dma_start3A_122 = arith.constant 0 : i32
        %dma_start3A_123 = tpu.memref_slice %arg7[%mul3A_90, %dma_start3A_122] : memref<125x80xi32, #tpu.memory_space<vmem>> -> memref<1x80xi32, #tpu.memory_space<vmem>>
        %dma_start3A_124 = tpu.memref_squeeze %dma_start3A_123 : memref<1x80xi32, #tpu.memory_space<vmem>> -> memref<80xi32, #tpu.memory_space<vmem>>
        %dma_start3A_125 = arith.constant 0 : i32
        %dma_start3A_126 = arith.constant 0 : i32
        %dma_start3A_127 = tpu.memref_slice %arg11[%dma_start3A_125, %dma_start3A_126] : memref<10000x128xf32, #tpu.memory_space<vmem_shared>> -> memref<10000x128xf32, #tpu.memory_space<vmem_shared>>
        tpu.enqueue_indirect_dma source(%arg8 : memref<80x128xf32, #tpu.memory_space<vmem>>) target(%dma_start3A_127 : memref<10000x128xf32, #tpu.memory_space<vmem_shared>>) offsets(%dma_start3A_124 : memref<80xi32, #tpu.memory_space<vmem>>) semaphore(%run_scoped3A_121 : memref<!tpu.dma_semaphore, #tpu.memory_space<semaphore_mem>>) {add = true}
        %dma_wait3A_128 = arith.constant 0 : i32
        %dma_wait3A_129 = tpu.memref_slice %arg7[%mul3A_90, %dma_wait3A_128] : memref<125x80xi32, #tpu.memory_space<vmem>> -> memref<1x80xi32, #tpu.memory_space<vmem>>
        %dma_wait3A_130 = tpu.memref_squeeze %dma_wait3A_129 : memref<1x80xi32, #tpu.memory_space<vmem>> -> memref<80xi32, #tpu.memory_space<vmem>>
        %dma_wait3A_131 = arith.constant 0 : i32
        %dma_wait3A_132 = arith.constant 0 : i32
        %dma_wait3A_133 = tpu.memref_slice %arg11[%dma_wait3A_131, %dma_wait3A_132] : memref<10000x128xf32, #tpu.memory_space<vmem_shared>> -> memref<10000x128xf32, #tpu.memory_space<vmem_shared>>
        tpu.wait_indirect_dma semaphore(%run_scoped3A_121 : memref<!tpu.dma_semaphore, #tpu.memory_space<semaphore_mem>>) src(%arg8 : memref<80x128xf32, #tpu.memory_space<vmem>>) dst(%dma_wait3A_133 : memref<10000x128xf32, #tpu.memory_space<vmem_shared>>)
        tpu.yield
      }) : () -> ()
      %add3A_97 = arith.constant 2 : i32
      %add3A_98 = arith.addi %mul3A_90, %add3A_97 : i32
      %mul3A_99 = arith.constant 80 : i32
      %mul3A_100 = arith.muli %add3A_98, %mul3A_99 : i32
      %dma_start3A_101 = tpu.memref_slice %arg6[%mul3A_100] : memref<10000xi32, #tpu.memory_space<vmem>> -> memref<80xi32, #tpu.memory_space<vmem>>
      %dma_start3A_102 = arith.constant 0 : i32
      %dma_start3A_103 = arith.constant 0 : i32
      %dma_start3A_104 = tpu.memref_slice %arg2[%dma_start3A_102, %dma_start3A_103] : memref<10000x128xf32, #tpu.memory_space<hbm>> -> memref<10000x128xf32, #tpu.memory_space<hbm>>
      tpu.enqueue_indirect_dma source(%dma_start3A_104 : memref<10000x128xf32, #tpu.memory_space<hbm>>) target(%arg8 : memref<80x128xf32, #tpu.memory_space<vmem>>) offsets(%dma_start3A_101 : memref<80xi32, #tpu.memory_space<vmem>>) semaphore(%arg13 : memref<!tpu.dma_semaphore, #tpu.memory_space<semaphore_mem>>)
      %dma_wait3A_105 = arith.constant 0 : i32
      %dma_wait3A_106 = arith.constant 0 : i32
      %dma_wait3A_107 = tpu.memref_slice %arg2[%dma_wait3A_105, %dma_wait3A_106] : memref<10000x128xf32, #tpu.memory_space<hbm>> -> memref<80x128xf32, #tpu.memory_space<hbm>>
      %dma_wait3A_108 = arith.constant 0 : i32
      %dma_wait3A_109 = arith.constant 0 : i32
      %dma_wait3A_110 = tpu.memref_slice %arg2[%dma_wait3A_108, %dma_wait3A_109] : memref<10000x128xf32, #tpu.memory_space<hbm>> -> memref<80x128xf32, #tpu.memory_space<hbm>>
      tpu.wait_dma2 semaphore(%arg14 : memref<!tpu.dma_semaphore, #tpu.memory_space<semaphore_mem>>) src(%dma_wait3A_110 : memref<80x128xf32, #tpu.memory_space<hbm>>) dst(%arg9 : memref<80x128xf32, #tpu.memory_space<vmem>>)
      %add3A_111 = arith.constant 1 : i32
      %add3A_112 = arith.addi %mul3A_90, %add3A_111 : i32
      "tpu.region"() ({
        %run_scoped3A_121 = tpu.sem_alloc : memref<!tpu.dma_semaphore, #tpu.memory_space<semaphore_mem>>
        %dma_start3A_122 = arith.constant 0 : i32
        %dma_start3A_123 = tpu.memref_slice %arg7[%add3A_112, %dma_start3A_122] : memref<125x80xi32, #tpu.memory_space<vmem>> -> memref<1x80xi32, #tpu.memory_space<vmem>>
        %dma_start3A_124 = tpu.memref_squeeze %dma_start3A_123 : memref<1x80xi32, #tpu.memory_space<vmem>> -> memref<80xi32, #tpu.memory_space<vmem>>
        %dma_start3A_125 = arith.constant 0 : i32
        %dma_start3A_126 = arith.constant 0 : i32
        %dma_start3A_127 = tpu.memref_slice %arg11[%dma_start3A_125, %dma_start3A_126] : memref<10000x128xf32, #tpu.memory_space<vmem_shared>> -> memref<10000x128xf32, #tpu.memory_space<vmem_shared>>
        tpu.enqueue_indirect_dma source(%arg9 : memref<80x128xf32, #tpu.memory_space<vmem>>) target(%dma_start3A_127 : memref<10000x128xf32, #tpu.memory_space<vmem_shared>>) offsets(%dma_start3A_124 : memref<80xi32, #tpu.memory_space<vmem>>) semaphore(%run_scoped3A_121 : memref<!tpu.dma_semaphore, #tpu.memory_space<semaphore_mem>>) {add = true}
        %dma_wait3A_128 = arith.constant 0 : i32
        %dma_wait3A_129 = tpu.memref_slice %arg7[%add3A_112, %dma_wait3A_128] : memref<125x80xi32, #tpu.memory_space<vmem>> -> memref<1x80xi32, #tpu.memory_space<vmem>>
        %dma_wait3A_130 = tpu.memref_squeeze %dma_wait3A_129 : memref<1x80xi32, #tpu.memory_space<vmem>> -> memref<80xi32, #tpu.memory_space<vmem>>
        %dma_wait3A_131 = arith.constant 0 : i32
        %dma_wait3A_132 = arith.constant 0 : i32
        %dma_wait3A_133 = tpu.memref_slice %arg11[%dma_wait3A_131, %dma_wait3A_132] : memref<10000x128xf32, #tpu.memory_space<vmem_shared>> -> memref<10000x128xf32, #tpu.memory_space<vmem_shared>>
        tpu.wait_indirect_dma semaphore(%run_scoped3A_121 : memref<!tpu.dma_semaphore, #tpu.memory_space<semaphore_mem>>) src(%arg9 : memref<80x128xf32, #tpu.memory_space<vmem>>) dst(%dma_wait3A_133 : memref<10000x128xf32, #tpu.memory_space<vmem_shared>>)
        tpu.yield
      }) : () -> ()
      %add3A_113 = arith.constant 3 : i32
      %add3A_114 = arith.addi %mul3A_90, %add3A_113 : i32
      %mul3A_115 = arith.constant 80 : i32
      %mul3A_116 = arith.muli %add3A_114, %mul3A_115 : i32
      %dma_start3A_117 = tpu.memref_slice %arg6[%mul3A_116] : memref<10000xi32, #tpu.memory_space<vmem>> -> memref<80xi32, #tpu.memory_space<vmem>>
      %dma_start3A_118 = arith.constant 0 : i32
      %dma_start3A_119 = arith.constant 0 : i32
      %dma_start3A_120 = tpu.memref_slice %arg2[%dma_start3A_118, %dma_start3A_119] : memref<10000x128xf32, #tpu.memory_space<hbm>> -> memref<10000x128xf32, #tpu.memory_space<hbm>>
      tpu.enqueue_indirect_dma source(%dma_start3A_120 : memref<10000x128xf32, #tpu.memory_space<hbm>>) target(%arg9 : memref<80x128xf32, #tpu.memory_space<vmem>>) offsets(%dma_start3A_117 : memref<80xi32, #tpu.memory_space<vmem>>) semaphore(%arg14 : memref<!tpu.dma_semaphore, #tpu.memory_space<semaphore_mem>>)
    }
    %scan3A_51 = arith.constant 61 : i32
    %dma_wait3A_52 = arith.constant 0 : i32
    %dma_wait3A_53 = arith.constant 0 : i32
    %dma_wait3A_54 = tpu.memref_slice %arg2[%dma_wait3A_52, %dma_wait3A_53] : memref<10000x128xf32, #tpu.memory_space<hbm>> -> memref<80x128xf32, #tpu.memory_space<hbm>>
    %dma_wait3A_55 = arith.constant 0 : i32
    %dma_wait3A_56 = arith.constant 0 : i32
    %dma_wait3A_57 = tpu.memref_slice %arg2[%dma_wait3A_55, %dma_wait3A_56] : memref<10000x128xf32, #tpu.memory_space<hbm>> -> memref<80x128xf32, #tpu.memory_space<hbm>>
    tpu.wait_dma2 semaphore(%arg13 : memref<!tpu.dma_semaphore, #tpu.memory_space<semaphore_mem>>) src(%dma_wait3A_57 : memref<80x128xf32, #tpu.memory_space<hbm>>) dst(%arg8 : memref<80x128xf32, #tpu.memory_space<vmem>>)
    %run_scoped3A = arith.constant 122 : i32
    "tpu.region"() ({
      %run_scoped3A_84 = tpu.sem_alloc : memref<!tpu.dma_semaphore, #tpu.memory_space<semaphore_mem>>
      %dma_start3A_85 = arith.constant 0 : i32
      %dma_start3A_86 = tpu.memref_slice %arg7[%run_scoped3A, %dma_start3A_85] : memref<125x80xi32, #tpu.memory_space<vmem>> -> memref<1x80xi32, #tpu.memory_space<vmem>>
      %dma_start3A_87 = tpu.memref_squeeze %dma_start3A_86 : memref<1x80xi32, #tpu.memory_space<vmem>> -> memref<80xi32, #tpu.memory_space<vmem>>
      %dma_start3A_88 = arith.constant 0 : i32
      %dma_start3A_89 = arith.constant 0 : i32
      %dma_start3A_90 = tpu.memref_slice %arg11[%dma_start3A_88, %dma_start3A_89] : memref<10000x128xf32, #tpu.memory_space<vmem_shared>> -> memref<10000x128xf32, #tpu.memory_space<vmem_shared>>
      tpu.enqueue_indirect_dma source(%arg8 : memref<80x128xf32, #tpu.memory_space<vmem>>) target(%dma_start3A_90 : memref<10000x128xf32, #tpu.memory_space<vmem_shared>>) offsets(%dma_start3A_87 : memref<80xi32, #tpu.memory_space<vmem>>) semaphore(%run_scoped3A_84 : memref<!tpu.dma_semaphore, #tpu.memory_space<semaphore_mem>>) {add = true}
      %dma_wait3A_91 = arith.constant 0 : i32
      %dma_wait3A_92 = tpu.memref_slice %arg7[%run_scoped3A, %dma_wait3A_91] : memref<125x80xi32, #tpu.memory_space<vmem>> -> memref<1x80xi32, #tpu.memory_space<vmem>>
      %dma_wait3A_93 = tpu.memref_squeeze %dma_wait3A_92 : memref<1x80xi32, #tpu.memory_space<vmem>> -> memref<80xi32, #tpu.memory_space<vmem>>
      %dma_wait3A_94 = arith.constant 0 : i32
      %dma_wait3A_95 = arith.constant 0 : i32
      %dma_wait3A_96 = tpu.memref_slice %arg11[%dma_wait3A_94, %dma_wait3A_95] : memref<10000x128xf32, #tpu.memory_space<vmem_shared>> -> memref<10000x128xf32, #tpu.memory_space<vmem_shared>>
      tpu.wait_indirect_dma semaphore(%run_scoped3A_84 : memref<!tpu.dma_semaphore, #tpu.memory_space<semaphore_mem>>) src(%arg8 : memref<80x128xf32, #tpu.memory_space<vmem>>) dst(%dma_wait3A_96 : memref<10000x128xf32, #tpu.memory_space<vmem_shared>>)
      tpu.yield
    }) : () -> ()
    %dma_start3A_58 = arith.constant 9920 : i32
    %dma_start3A_59 = tpu.memref_slice %arg6[%dma_start3A_58] : memref<10000xi32, #tpu.memory_space<vmem>> -> memref<80xi32, #tpu.memory_space<vmem>>
    %dma_start3A_60 = arith.constant 0 : i32
    %dma_start3A_61 = arith.constant 0 : i32
    %dma_start3A_62 = tpu.memref_slice %arg2[%dma_start3A_60, %dma_start3A_61] : memref<10000x128xf32, #tpu.memory_space<hbm>> -> memref<10000x128xf32, #tpu.memory_space<hbm>>
    tpu.enqueue_indirect_dma source(%dma_start3A_62 : memref<10000x128xf32, #tpu.memory_space<hbm>>) target(%arg8 : memref<80x128xf32, #tpu.memory_space<vmem>>) offsets(%dma_start3A_59 : memref<80xi32, #tpu.memory_space<vmem>>) semaphore(%arg13 : memref<!tpu.dma_semaphore, #tpu.memory_space<semaphore_mem>>)
    %dma_wait3A_63 = arith.constant 0 : i32
    %dma_wait3A_64 = arith.constant 0 : i32
    %dma_wait3A_65 = tpu.memref_slice %arg2[%dma_wait3A_63, %dma_wait3A_64] : memref<10000x128xf32, #tpu.memory_space<hbm>> -> memref<80x128xf32, #tpu.memory_space<hbm>>
    %dma_wait3A_66 = arith.constant 0 : i32
    %dma_wait3A_67 = arith.constant 0 : i32
    %dma_wait3A_68 = tpu.memref_slice %arg2[%dma_wait3A_66, %dma_wait3A_67] : memref<10000x128xf32, #tpu.memory_space<hbm>> -> memref<80x128xf32, #tpu.memory_space<hbm>>
    tpu.wait_dma2 semaphore(%arg14 : memref<!tpu.dma_semaphore, #tpu.memory_space<semaphore_mem>>) src(%dma_wait3A_68 : memref<80x128xf32, #tpu.memory_space<hbm>>) dst(%arg9 : memref<80x128xf32, #tpu.memory_space<vmem>>)
    %run_scoped3A_69 = arith.constant 123 : i32
    "tpu.region"() ({
      %run_scoped3A_84 = tpu.sem_alloc : memref<!tpu.dma_semaphore, #tpu.memory_space<semaphore_mem>>
      %dma_start3A_85 = arith.constant 0 : i32
      %dma_start3A_86 = tpu.memref_slice %arg7[%run_scoped3A_69, %dma_start3A_85] : memref<125x80xi32, #tpu.memory_space<vmem>> -> memref<1x80xi32, #tpu.memory_space<vmem>>
      %dma_start3A_87 = tpu.memref_squeeze %dma_start3A_86 : memref<1x80xi32, #tpu.memory_space<vmem>> -> memref<80xi32, #tpu.memory_space<vmem>>
      %dma_start3A_88 = arith.constant 0 : i32
      %dma_start3A_89 = arith.constant 0 : i32
      %dma_start3A_90 = tpu.memref_slice %arg11[%dma_start3A_88, %dma_start3A_89] : memref<10000x128xf32, #tpu.memory_space<vmem_shared>> -> memref<10000x128xf32, #tpu.memory_space<vmem_shared>>
      tpu.enqueue_indirect_dma source(%arg9 : memref<80x128xf32, #tpu.memory_space<vmem>>) target(%dma_start3A_90 : memref<10000x128xf32, #tpu.memory_space<vmem_shared>>) offsets(%dma_start3A_87 : memref<80xi32, #tpu.memory_space<vmem>>) semaphore(%run_scoped3A_84 : memref<!tpu.dma_semaphore, #tpu.memory_space<semaphore_mem>>) {add = true}
      %dma_wait3A_91 = arith.constant 0 : i32
      %dma_wait3A_92 = tpu.memref_slice %arg7[%run_scoped3A_69, %dma_wait3A_91] : memref<125x80xi32, #tpu.memory_space<vmem>> -> memref<1x80xi32, #tpu.memory_space<vmem>>
      %dma_wait3A_93 = tpu.memref_squeeze %dma_wait3A_92 : memref<1x80xi32, #tpu.memory_space<vmem>> -> memref<80xi32, #tpu.memory_space<vmem>>
      %dma_wait3A_94 = arith.constant 0 : i32
      %dma_wait3A_95 = arith.constant 0 : i32
      %dma_wait3A_96 = tpu.memref_slice %arg11[%dma_wait3A_94, %dma_wait3A_95] : memref<10000x128xf32, #tpu.memory_space<vmem_shared>> -> memref<10000x128xf32, #tpu.memory_space<vmem_shared>>
      tpu.wait_indirect_dma semaphore(%run_scoped3A_84 : memref<!tpu.dma_semaphore, #tpu.memory_space<semaphore_mem>>) src(%arg9 : memref<80x128xf32, #tpu.memory_space<vmem>>) dst(%dma_wait3A_96 : memref<10000x128xf32, #tpu.memory_space<vmem_shared>>)
      tpu.yield
    }) : () -> ()
    %dma_wait3A_70 = arith.constant 0 : i32
    %dma_wait3A_71 = arith.constant 0 : i32
    %dma_wait3A_72 = tpu.memref_slice %arg2[%dma_wait3A_70, %dma_wait3A_71] : memref<10000x128xf32, #tpu.memory_space<hbm>> -> memref<80x128xf32, #tpu.memory_space<hbm>>
    %dma_wait3A_73 = arith.constant 0 : i32
    %dma_wait3A_74 = arith.constant 0 : i32
    %dma_wait3A_75 = tpu.memref_slice %arg2[%dma_wait3A_73, %dma_wait3A_74] : memref<10000x128xf32, #tpu.memory_space<hbm>> -> memref<80x128xf32, #tpu.memory_space<hbm>>
    tpu.wait_dma2 semaphore(%arg13 : memref<!tpu.dma_semaphore, #tpu.memory_space<semaphore_mem>>) src(%dma_wait3A_75 : memref<80x128xf32, #tpu.memory_space<hbm>>) dst(%arg8 : memref<80x128xf32, #tpu.memory_space<vmem>>)
    %run_scoped3A_76 = arith.constant 124 : i32
    "tpu.region"() ({
      %run_scoped3A_84 = tpu.sem_alloc : memref<!tpu.dma_semaphore, #tpu.memory_space<semaphore_mem>>
      %dma_start3A_85 = arith.constant 0 : i32
      %dma_start3A_86 = tpu.memref_slice %arg7[%run_scoped3A_76, %dma_start3A_85] : memref<125x80xi32, #tpu.memory_space<vmem>> -> memref<1x80xi32, #tpu.memory_space<vmem>>
      %dma_start3A_87 = tpu.memref_squeeze %dma_start3A_86 : memref<1x80xi32, #tpu.memory_space<vmem>> -> memref<80xi32, #tpu.memory_space<vmem>>
      %dma_start3A_88 = arith.constant 0 : i32
      %dma_start3A_89 = arith.constant 0 : i32
      %dma_start3A_90 = tpu.memref_slice %arg11[%dma_start3A_88, %dma_start3A_89] : memref<10000x128xf32, #tpu.memory_space<vmem_shared>> -> memref<10000x128xf32, #tpu.memory_space<vmem_shared>>
      tpu.enqueue_indirect_dma source(%arg8 : memref<80x128xf32, #tpu.memory_space<vmem>>) target(%dma_start3A_90 : memref<10000x128xf32, #tpu.memory_space<vmem_shared>>) offsets(%dma_start3A_87 : memref<80xi32, #tpu.memory_space<vmem>>) semaphore(%run_scoped3A_84 : memref<!tpu.dma_semaphore, #tpu.memory_space<semaphore_mem>>) {add = true}
      %dma_wait3A_91 = arith.constant 0 : i32
      %dma_wait3A_92 = tpu.memref_slice %arg7[%run_scoped3A_76, %dma_wait3A_91] : memref<125x80xi32, #tpu.memory_space<vmem>> -> memref<1x80xi32, #tpu.memory_space<vmem>>
      %dma_wait3A_93 = tpu.memref_squeeze %dma_wait3A_92 : memref<1x80xi32, #tpu.memory_space<vmem>> -> memref<80xi32, #tpu.memory_space<vmem>>
      %dma_wait3A_94 = arith.constant 0 : i32
      %dma_wait3A_95 = arith.constant 0 : i32
      %dma_wait3A_96 = tpu.memref_slice %arg11[%dma_wait3A_94, %dma_wait3A_95] : memref<10000x128xf32, #tpu.memory_space<vmem_shared>> -> memref<10000x128xf32, #tpu.memory_space<vmem_shared>>
      tpu.wait_indirect_dma semaphore(%run_scoped3A_84 : memref<!tpu.dma_semaphore, #tpu.memory_space<semaphore_mem>>) src(%arg8 : memref<80x128xf32, #tpu.memory_space<vmem>>) dst(%dma_wait3A_96 : memref<10000x128xf32, #tpu.memory_space<vmem_shared>>)
      tpu.yield
    }) : () -> ()
    %barrier3A_77 = arith.constant 0 : index
    tpu.barrier barrier_id(%barrier3A_77)
    %mul3A_78 = arith.constant 624 : i32
    %mul3A_79 = arith.muli %arg1, %mul3A_78 : i32
    %mul3A_80 = arith.constant 624 : i32
    %mul3A_81 = arith.muli %arg1, %mul3A_80 : i32
    "tpu.region"() ({
      %run_scoped3A_84 = tpu.sem_alloc : memref<!tpu.dma_semaphore, #tpu.memory_space<semaphore_mem>>
      %dma_start3A_85 = arith.constant 0 : i32
      %dma_start3A_86 = arith.constant 0 : i32
      %dma_start3A_87 = tpu.memref_slice %arg5[%arg0, %dma_start3A_85, %dma_start3A_86] : memref<2x10000x128xf32, #tpu.memory_space<hbm>> -> memref<1x10000x128xf32, #tpu.memory_space<hbm>>
      %dma_start3A_88 = tpu.memref_squeeze %dma_start3A_87 : memref<1x10000x128xf32, #tpu.memory_space<hbm>> -> memref<10000x128xf32, #tpu.memory_space<hbm>>
      %dma_start3A_89 = arith.constant 0 : i32
      %dma_start3A_90 = tpu.memref_slice %dma_start3A_88[%mul3A_81, %dma_start3A_89] : memref<10000x128xf32, #tpu.memory_space<hbm>> -> memref<624x128xf32, #tpu.memory_space<hbm>>
      %dma_start3A_91 = arith.constant 0 : i32
      %dma_start3A_92 = tpu.memref_slice %arg11[%mul3A_79, %dma_start3A_91] : memref<10000x128xf32, #tpu.memory_space<vmem_shared>> -> memref<624x128xf32, #tpu.memory_space<vmem_shared>>
      tpu.enqueue_dma source(%dma_start3A_92 : memref<624x128xf32, #tpu.memory_space<vmem_shared>>) target(%dma_start3A_90 : memref<624x128xf32, #tpu.memory_space<hbm>>) target_semaphore(%run_scoped3A_84 : memref<!tpu.dma_semaphore, #tpu.memory_space<semaphore_mem>>)
      %dma_wait3A_93 = arith.constant 0 : i32
      %dma_wait3A_94 = arith.constant 0 : i32
      %dma_wait3A_95 = tpu.memref_slice %arg5[%arg0, %dma_wait3A_93, %dma_wait3A_94] : memref<2x10000x128xf32, #tpu.memory_space<hbm>> -> memref<1x10000x128xf32, #tpu.memory_space<hbm>>
      %dma_wait3A_96 = tpu.memref_squeeze %dma_wait3A_95 : memref<1x10000x128xf32, #tpu.memory_space<hbm>> -> memref<10000x128xf32, #tpu.memory_space<hbm>>
      %dma_wait3A_97 = arith.constant 0 : i32
      %dma_wait3A_98 = tpu.memref_slice %dma_wait3A_96[%mul3A_81, %dma_wait3A_97] : memref<10000x128xf32, #tpu.memory_space<hbm>> -> memref<624x128xf32, #tpu.memory_space<hbm>>
      %dma_wait3A_99 = arith.constant 0 : i32
      %dma_wait3A_100 = tpu.memref_slice %arg11[%mul3A_79, %dma_wait3A_99] : memref<10000x128xf32, #tpu.memory_space<vmem_shared>> -> memref<624x128xf32, #tpu.memory_space<vmem_shared>>
      tpu.wait_dma2 semaphore(%run_scoped3A_84 : memref<!tpu.dma_semaphore, #tpu.memory_space<semaphore_mem>>) src(%dma_wait3A_100 : memref<624x128xf32, #tpu.memory_space<vmem_shared>>) dst(%dma_wait3A_98 : memref<624x128xf32, #tpu.memory_space<hbm>>)
      tpu.yield
    }) : () -> ()
    %eq3A = arith.constant 15 : i32
    %eq3A_82 = arith.cmpi eq, %arg1, %eq3A : i32
    %convert_element_type3A = arith.extui %eq3A_82 : i1 to i32
    %cond3A = arith.constant 0 : i32
    %cond3A_83 = arith.cmpi ne, %convert_element_type3A, %cond3A : i32
    scf.if %cond3A_83 {
      "tpu.region"() ({
        %run_scoped3A_84 = tpu.sem_alloc : memref<!tpu.dma_semaphore, #tpu.memory_space<semaphore_mem>>
        %dma_start3A_85 = arith.constant 0 : i32
        %dma_start3A_86 = arith.constant 0 : i32
        %dma_start3A_87 = tpu.memref_slice %arg5[%arg0, %dma_start3A_85, %dma_start3A_86] : memref<2x10000x128xf32, #tpu.memory_space<hbm>> -> memref<1x10000x128xf32, #tpu.memory_space<hbm>>
        %dma_start3A_88 = tpu.memref_squeeze %dma_start3A_87 : memref<1x10000x128xf32, #tpu.memory_space<hbm>> -> memref<10000x128xf32, #tpu.memory_space<hbm>>
        %dma_start3A_89 = arith.constant 9984 : i32
        %dma_start3A_90 = arith.constant 0 : i32
        %dma_start3A_91 = tpu.memref_slice %dma_start3A_88[%dma_start3A_89, %dma_start3A_90] : memref<10000x128xf32, #tpu.memory_space<hbm>> -> memref<16x128xf32, #tpu.memory_space<hbm>>
        %dma_start3A_92 = arith.constant 9984 : i32
        %dma_start3A_93 = arith.constant 0 : i32
        %dma_start3A_94 = tpu.memref_slice %arg11[%dma_start3A_92, %dma_start3A_93] : memref<10000x128xf32, #tpu.memory_space<vmem_shared>> -> memref<16x128xf32, #tpu.memory_space<vmem_shared>>
        tpu.enqueue_dma source(%dma_start3A_94 : memref<16x128xf32, #tpu.memory_space<vmem_shared>>) target(%dma_start3A_91 : memref<16x128xf32, #tpu.memory_space<hbm>>) target_semaphore(%run_scoped3A_84 : memref<!tpu.dma_semaphore, #tpu.memory_space<semaphore_mem>>)
        %dma_wait3A_95 = arith.constant 0 : i32
        %dma_wait3A_96 = arith.constant 0 : i32
        %dma_wait3A_97 = tpu.memref_slice %arg5[%arg0, %dma_wait3A_95, %dma_wait3A_96] : memref<2x10000x128xf32, #tpu.memory_space<hbm>> -> memref<1x10000x128xf32, #tpu.memory_space<hbm>>
        %dma_wait3A_98 = tpu.memref_squeeze %dma_wait3A_97 : memref<1x10000x128xf32, #tpu.memory_space<hbm>> -> memref<10000x128xf32, #tpu.memory_space<hbm>>
        %dma_wait3A_99 = arith.constant 9984 : i32
        %dma_wait3A_100 = arith.constant 0 : i32
        %dma_wait3A_101 = tpu.memref_slice %dma_wait3A_98[%dma_wait3A_99, %dma_wait3A_100] : memref<10000x128xf32, #tpu.memory_space<hbm>> -> memref<16x128xf32, #tpu.memory_space<hbm>>
        %dma_wait3A_102 = arith.constant 9984 : i32
        %dma_wait3A_103 = arith.constant 0 : i32
        %dma_wait3A_104 = tpu.memref_slice %arg11[%dma_wait3A_102, %dma_wait3A_103] : memref<10000x128xf32, #tpu.memory_space<vmem_shared>> -> memref<16x128xf32, #tpu.memory_space<vmem_shared>>
        tpu.wait_dma2 semaphore(%run_scoped3A_84 : memref<!tpu.dma_semaphore, #tpu.memory_space<semaphore_mem>>) src(%dma_wait3A_104 : memref<16x128xf32, #tpu.memory_space<vmem_shared>>) dst(%dma_wait3A_101 : memref<16x128xf32, #tpu.memory_space<hbm>>)
        tpu.yield
      }) : () -> ()
    } else {
    }
    return
  }
}

#map = affine_map<(d0, d1) -> (0, 0, 0)>
module attributes {stable_mosaic.version = 14 : i64} {
  func.func @_deg_kernel(%arg0: i32, %arg1: i32, %arg2: memref<32x125x80xi32, #tpu.memory_space<hbm>>, %arg3: memref<2x10000x128xf32, #tpu.memory_space<hbm>>, %arg4: memref<80x128xf32, #tpu.memory_space<vmem>>, %arg5: memref<125x80xi32, #tpu.memory_space<vmem>>, %arg6: memref<125x128xf32, #tpu.memory_space<vmem>>, %arg7: memref<10000x128xf32, #tpu.memory_space<vmem_shared>>, %arg8: memref<!tpu.dma_semaphore, #tpu.memory_space<semaphore_mem>>) attributes {dimension_semantics = [#tpu.dimension_semantics<core_parallel>, #tpu.dimension_semantics<subcore_parallel>], iteration_bounds = array<i64: 2, 16>, scalar_prefetch = 0 : i64, scratch_operands = 5 : i64, tpu.core_type = #tpu.core_type<sc_vector_subcore>, window_params = [{transform_indices = #map}, {transform_indices = #map}]} {
    %mul3A = arith.constant 16 : i32
    %mul3A_0 = arith.muli %arg0, %mul3A : i32
    %add3A = arith.addi %mul3A_0, %arg1 : i32
    %broadcast_in_dim3A = arith.constant 1.000000e+00 : f32
    %broadcast_in_dim3A_1 = vector.broadcast %broadcast_in_dim3A : f32 to vector<16xf32>
    %broadcast_in_dim3A_2 = arith.constant 0.000000e+00 : f32
    %broadcast_in_dim3A_3 = vector.broadcast %broadcast_in_dim3A_2 : f32 to vector<16xf32>
    %dma_start3A = arith.constant 0 : i32
    %dma_start3A_4 = arith.constant 0 : i32
    %dma_start3A_5 = tpu.memref_slice %arg2[%add3A, %dma_start3A, %dma_start3A_4] : memref<32x125x80xi32, #tpu.memory_space<hbm>> -> memref<1x125x80xi32, #tpu.memory_space<hbm>>
    %dma_start3A_6 = tpu.memref_squeeze %dma_start3A_5 : memref<1x125x80xi32, #tpu.memory_space<hbm>> -> memref<125x80xi32, #tpu.memory_space<hbm>>
    %dma_start3A_7 = arith.constant 0 : i32
    %dma_start3A_8 = arith.constant 0 : i32
    %dma_start3A_9 = tpu.memref_slice %arg2[%add3A, %dma_start3A_7, %dma_start3A_8] : memref<32x125x80xi32, #tpu.memory_space<hbm>> -> memref<1x125x80xi32, #tpu.memory_space<hbm>>
    %dma_start3A_10 = tpu.memref_squeeze %dma_start3A_9 : memref<1x125x80xi32, #tpu.memory_space<hbm>> -> memref<125x80xi32, #tpu.memory_space<hbm>>
    tpu.enqueue_dma source(%dma_start3A_10 : memref<125x80xi32, #tpu.memory_space<hbm>>) target(%arg5 : memref<125x80xi32, #tpu.memory_space<vmem>>) target_semaphore(%arg8 : memref<!tpu.dma_semaphore, #tpu.memory_space<semaphore_mem>>)
    %scan3A = arith.constant 0 : i32
    %scan3A_11 = arith.constant 80 : i32
    %scan3A_12 = arith.addi %scan3A, %scan3A_11 : i32
    %scan3A_13 = arith.constant 1 : i32
    scf.for %scan3A_114 = %scan3A to %scan3A_12 step %scan3A_13  : i32 {
      %mul3A_115 = arith.constant 1 : i32
      %mul3A_116 = arith.muli %scan3A_114, %mul3A_115 : i32
      %add3A_117 = arith.constant 0 : i32
      %add3A_118 = arith.addi %add3A_117, %mul3A_116 : i32
      %scan3A_119 = arith.constant 0 : i32
      %scan3A_120 = arith.constant 8 : i32
      %scan3A_121 = arith.addi %scan3A_119, %scan3A_120 : i32
      %scan3A_122 = arith.constant 1 : i32
      scf.for %scan3A_124 = %scan3A_119 to %scan3A_121 step %scan3A_122  : i32 {
        %mul3A_125 = arith.constant 1 : i32
        %mul3A_126 = arith.muli %scan3A_124, %mul3A_125 : i32
        %add3A_127 = arith.constant 0 : i32
        %add3A_128 = arith.addi %add3A_127, %mul3A_126 : i32
        %mul3A_129 = arith.constant 16 : i32
        %mul3A_130 = arith.muli %add3A_128, %mul3A_129 : i32
        %swap3A = arith.index_cast %add3A_118 : i32 to index
        %swap3A_131 = arith.index_cast %mul3A_130 : i32 to index
        %swap3A_132 = tpu.vector_load %arg4[%swap3A, %swap3A_131] {strides = array<i32>} : memref<80x128xf32, #tpu.memory_space<vmem>>, vector<1x16xf32>,
        %swap3A_133 = vector.shape_cast %swap3A_132 : vector<1x16xf32> to vector<16xf32>
        %swap3A_134 = vector.shape_cast %broadcast_in_dim3A_1 : vector<16xf32> to vector<1x16xf32>
        tpu.vector_store %arg4[%swap3A, %swap3A_131], %swap3A_134 {strides = array<i32>} : memref<80x128xf32, #tpu.memory_space<vmem>>, vector<1x16xf32>,
      }
      %scan3A_123 = arith.constant 8 : i32
    }
    %scan3A_14 = arith.constant 80 : i32
    %scan3A_15 = arith.constant 0 : i32
    %scan3A_16 = arith.constant 125 : i32
    %scan3A_17 = arith.addi %scan3A_15, %scan3A_16 : i32
    %scan3A_18 = arith.constant 1 : i32
    scf.for %scan3A_114 = %scan3A_15 to %scan3A_17 step %scan3A_18  : i32 {
      %mul3A_115 = arith.constant 1 : i32
      %mul3A_116 = arith.muli %scan3A_114, %mul3A_115 : i32
      %add3A_117 = arith.constant 0 : i32
      %add3A_118 = arith.addi %add3A_117, %mul3A_116 : i32
      %scan3A_119 = arith.constant 0 : i32
      %scan3A_120 = arith.constant 8 : i32
      %scan3A_121 = arith.addi %scan3A_119, %scan3A_120 : i32
      %scan3A_122 = arith.constant 1 : i32
      scf.for %scan3A_124 = %scan3A_119 to %scan3A_121 step %scan3A_122  : i32 {
        %mul3A_125 = arith.constant 1 : i32
        %mul3A_126 = arith.muli %scan3A_124, %mul3A_125 : i32
        %add3A_127 = arith.constant 0 : i32
        %add3A_128 = arith.addi %add3A_127, %mul3A_126 : i32
        %mul3A_129 = arith.constant 16 : i32
        %mul3A_130 = arith.muli %add3A_128, %mul3A_129 : i32
        %swap3A = arith.index_cast %add3A_118 : i32 to index
        %swap3A_131 = arith.index_cast %mul3A_130 : i32 to index
        %swap3A_132 = tpu.vector_load %arg6[%swap3A, %swap3A_131] {strides = array<i32>} : memref<125x128xf32, #tpu.memory_space<vmem>>, vector<1x16xf32>,
        %swap3A_133 = vector.shape_cast %swap3A_132 : vector<1x16xf32> to vector<16xf32>
        %swap3A_134 = vector.shape_cast %broadcast_in_dim3A_3 : vector<16xf32> to vector<1x16xf32>
        tpu.vector_store %arg6[%swap3A, %swap3A_131], %swap3A_134 {strides = array<i32>} : memref<125x128xf32, #tpu.memory_space<vmem>>, vector<1x16xf32>,
      }
      %scan3A_123 = arith.constant 8 : i32
    }
    %scan3A_19 = arith.constant 125 : i32
    %scan3A_20 = arith.constant 0 : i32
    %scan3A_21 = arith.constant 5 : i32
    %scan3A_22 = arith.addi %scan3A_20, %scan3A_21 : i32
    %scan3A_23 = arith.constant 1 : i32
    scf.for %scan3A_114 = %scan3A_20 to %scan3A_22 step %scan3A_23  : i32 {
      %mul3A_115 = arith.constant 1 : i32
      %mul3A_116 = arith.muli %scan3A_114, %mul3A_115 : i32
      %add3A_117 = arith.constant 0 : i32
      %add3A_118 = arith.addi %add3A_117, %mul3A_116 : i32
      %mul3A_119 = arith.constant 625 : i32
      %mul3A_120 = arith.muli %arg1, %mul3A_119 : i32
      %mul3A_121 = arith.constant 125 : i32
      %mul3A_122 = arith.muli %add3A_118, %mul3A_121 : i32
      %add3A_123 = arith.addi %mul3A_120, %mul3A_122 : i32
      "tpu.region"() ({
        %run_scoped3A = tpu.sem_alloc : memref<!tpu.dma_semaphore, #tpu.memory_space<semaphore_mem>>
        %dma_start3A_124 = arith.constant 0 : i32
        %dma_start3A_125 = tpu.memref_slice %arg7[%add3A_123, %dma_start3A_124] : memref<10000x128xf32, #tpu.memory_space<vmem_shared>> -> memref<125x128xf32, #tpu.memory_space<vmem_shared>>
        %dma_start3A_126 = arith.constant 0 : i32
        %dma_start3A_127 = tpu.memref_slice %arg7[%add3A_123, %dma_start3A_126] : memref<10000x128xf32, #tpu.memory_space<vmem_shared>> -> memref<125x128xf32, #tpu.memory_space<vmem_shared>>
        tpu.enqueue_dma source(%arg6 : memref<125x128xf32, #tpu.memory_space<vmem>>) target(%dma_start3A_127 : memref<125x128xf32, #tpu.memory_space<vmem_shared>>) target_semaphore(%run_scoped3A : memref<!tpu.dma_semaphore, #tpu.memory_space<semaphore_mem>>)
        %dma_wait3A_128 = arith.constant 0 : i32
        %dma_wait3A_129 = tpu.memref_slice %arg7[%add3A_123, %dma_wait3A_128] : memref<10000x128xf32, #tpu.memory_space<vmem_shared>> -> memref<125x128xf32, #tpu.memory_space<vmem_shared>>
        %dma_wait3A_130 = arith.constant 0 : i32
        %dma_wait3A_131 = tpu.memref_slice %arg7[%add3A_123, %dma_wait3A_130] : memref<10000x128xf32, #tpu.memory_space<vmem_shared>> -> memref<125x128xf32, #tpu.memory_space<vmem_shared>>
        tpu.wait_dma2 semaphore(%run_scoped3A : memref<!tpu.dma_semaphore, #tpu.memory_space<semaphore_mem>>) src(%arg6 : memref<125x128xf32, #tpu.memory_space<vmem>>) dst(%dma_wait3A_131 : memref<125x128xf32, #tpu.memory_space<vmem_shared>>)
        tpu.yield
      }) : () -> ()
    }
    %scan3A_24 = arith.constant 5 : i32
    %dma_wait3A = arith.constant 0 : i32
    %dma_wait3A_25 = arith.constant 0 : i32
    %dma_wait3A_26 = tpu.memref_slice %arg2[%add3A, %dma_wait3A, %dma_wait3A_25] : memref<32x125x80xi32, #tpu.memory_space<hbm>> -> memref<1x125x80xi32, #tpu.memory_space<hbm>>
    %dma_wait3A_27 = tpu.memref_squeeze %dma_wait3A_26 : memref<1x125x80xi32, #tpu.memory_space<hbm>> -> memref<125x80xi32, #tpu.memory_space<hbm>>
    %dma_wait3A_28 = arith.constant 0 : i32
    %dma_wait3A_29 = arith.constant 0 : i32
    %dma_wait3A_30 = tpu.memref_slice %arg2[%add3A, %dma_wait3A_28, %dma_wait3A_29] : memref<32x125x80xi32, #tpu.memory_space<hbm>> -> memref<1x125x80xi32, #tpu.memory_space<hbm>>
    %dma_wait3A_31 = tpu.memref_squeeze %dma_wait3A_30 : memref<1x125x80xi32, #tpu.memory_space<hbm>> -> memref<125x80xi32, #tpu.memory_space<hbm>>
    tpu.wait_dma2 semaphore(%arg8 : memref<!tpu.dma_semaphore, #tpu.memory_space<semaphore_mem>>) src(%dma_wait3A_31 : memref<125x80xi32, #tpu.memory_space<hbm>>) dst(%arg5 : memref<125x80xi32, #tpu.memory_space<vmem>>)
    %barrier3A = arith.constant 0 : index
    tpu.barrier barrier_id(%barrier3A)
    %dma_start3A_32 = arith.constant 0 : i32
    %dma_start3A_33 = arith.constant 0 : i32
    %dma_start3A_34 = tpu.memref_slice %arg5[%dma_start3A_32, %dma_start3A_33] : memref<125x80xi32, #tpu.memory_space<vmem>> -> memref<1x80xi32, #tpu.memory_space<vmem>>
    %dma_start3A_35 = tpu.memref_squeeze %dma_start3A_34 : memref<1x80xi32, #tpu.memory_space<vmem>> -> memref<80xi32, #tpu.memory_space<vmem>>
    %dma_start3A_36 = arith.constant 0 : i32
    %dma_start3A_37 = arith.constant 0 : i32
    %dma_start3A_38 = tpu.memref_slice %arg7[%dma_start3A_36, %dma_start3A_37] : memref<10000x128xf32, #tpu.memory_space<vmem_shared>> -> memref<10000x128xf32, #tpu.memory_space<vmem_shared>>
    tpu.enqueue_indirect_dma source(%arg4 : memref<80x128xf32, #tpu.memory_space<vmem>>) target(%dma_start3A_38 : memref<10000x128xf32, #tpu.memory_space<vmem_shared>>) offsets(%dma_start3A_35 : memref<80xi32, #tpu.memory_space<vmem>>) semaphore(%arg8 : memref<!tpu.dma_semaphore, #tpu.memory_space<semaphore_mem>>) {add = true}
    %dma_start3A_39 = arith.constant 1 : i32
    %dma_start3A_40 = arith.constant 0 : i32
    %dma_start3A_41 = tpu.memref_slice %arg5[%dma_start3A_39, %dma_start3A_40] : memref<125x80xi32, #tpu.memory_space<vmem>> -> memref<1x80xi32, #tpu.memory_space<vmem>>
    %dma_start3A_42 = tpu.memref_squeeze %dma_start3A_41 : memref<1x80xi32, #tpu.memory_space<vmem>> -> memref<80xi32, #tpu.memory_space<vmem>>
    %dma_start3A_43 = arith.constant 0 : i32
    %dma_start3A_44 = arith.constant 0 : i32
    %dma_start3A_45 = tpu.memref_slice %arg7[%dma_start3A_43, %dma_start3A_44] : memref<10000x128xf32, #tpu.memory_space<vmem_shared>> -> memref<10000x128xf32, #tpu.memory_space<vmem_shared>>
    tpu.enqueue_indirect_dma source(%arg4 : memref<80x128xf32, #tpu.memory_space<vmem>>) target(%dma_start3A_45 : memref<10000x128xf32, #tpu.memory_space<vmem_shared>>) offsets(%dma_start3A_42 : memref<80xi32, #tpu.memory_space<vmem>>) semaphore(%arg8 : memref<!tpu.dma_semaphore, #tpu.memory_space<semaphore_mem>>) {add = true}
    %dma_start3A_46 = arith.constant 2 : i32
    %dma_start3A_47 = arith.constant 0 : i32
    %dma_start3A_48 = tpu.memref_slice %arg5[%dma_start3A_46, %dma_start3A_47] : memref<125x80xi32, #tpu.memory_space<vmem>> -> memref<1x80xi32, #tpu.memory_space<vmem>>
    %dma_start3A_49 = tpu.memref_squeeze %dma_start3A_48 : memref<1x80xi32, #tpu.memory_space<vmem>> -> memref<80xi32, #tpu.memory_space<vmem>>
    %dma_start3A_50 = arith.constant 0 : i32
    %dma_start3A_51 = arith.constant 0 : i32
    %dma_start3A_52 = tpu.memref_slice %arg7[%dma_start3A_50, %dma_start3A_51] : memref<10000x128xf32, #tpu.memory_space<vmem_shared>> -> memref<10000x128xf32, #tpu.memory_space<vmem_shared>>
    tpu.enqueue_indirect_dma source(%arg4 : memref<80x128xf32, #tpu.memory_space<vmem>>) target(%dma_start3A_52 : memref<10000x128xf32, #tpu.memory_space<vmem_shared>>) offsets(%dma_start3A_49 : memref<80xi32, #tpu.memory_space<vmem>>) semaphore(%arg8 : memref<!tpu.dma_semaphore, #tpu.memory_space<semaphore_mem>>) {add = true}
    %dma_start3A_53 = arith.constant 3 : i32
    %dma_start3A_54 = arith.constant 0 : i32
    %dma_start3A_55 = tpu.memref_slice %arg5[%dma_start3A_53, %dma_start3A_54] : memref<125x80xi32, #tpu.memory_space<vmem>> -> memref<1x80xi32, #tpu.memory_space<vmem>>
    %dma_start3A_56 = tpu.memref_squeeze %dma_start3A_55 : memref<1x80xi32, #tpu.memory_space<vmem>> -> memref<80xi32, #tpu.memory_space<vmem>>
    %dma_start3A_57 = arith.constant 0 : i32
    %dma_start3A_58 = arith.constant 0 : i32
    %dma_start3A_59 = tpu.memref_slice %arg7[%dma_start3A_57, %dma_start3A_58] : memref<10000x128xf32, #tpu.memory_space<vmem_shared>> -> memref<10000x128xf32, #tpu.memory_space<vmem_shared>>
    tpu.enqueue_indirect_dma source(%arg4 : memref<80x128xf32, #tpu.memory_space<vmem>>) target(%dma_start3A_59 : memref<10000x128xf32, #tpu.memory_space<vmem_shared>>) offsets(%dma_start3A_56 : memref<80xi32, #tpu.memory_space<vmem>>) semaphore(%arg8 : memref<!tpu.dma_semaphore, #tpu.memory_space<semaphore_mem>>) {add = true}
    %dma_start3A_60 = arith.constant 4 : i32
    %dma_start3A_61 = arith.constant 0 : i32
    %dma_start3A_62 = tpu.memref_slice %arg5[%dma_start3A_60, %dma_start3A_61] : memref<125x80xi32, #tpu.memory_space<vmem>> -> memref<1x80xi32, #tpu.memory_space<vmem>>
    %dma_start3A_63 = tpu.memref_squeeze %dma_start3A_62 : memref<1x80xi32, #tpu.memory_space<vmem>> -> memref<80xi32, #tpu.memory_space<vmem>>
    %dma_start3A_64 = arith.constant 0 : i32
    %dma_start3A_65 = arith.constant 0 : i32
    %dma_start3A_66 = tpu.memref_slice %arg7[%dma_start3A_64, %dma_start3A_65] : memref<10000x128xf32, #tpu.memory_space<vmem_shared>> -> memref<10000x128xf32, #tpu.memory_space<vmem_shared>>
    tpu.enqueue_indirect_dma source(%arg4 : memref<80x128xf32, #tpu.memory_space<vmem>>) target(%dma_start3A_66 : memref<10000x128xf32, #tpu.memory_space<vmem_shared>>) offsets(%dma_start3A_63 : memref<80xi32, #tpu.memory_space<vmem>>) semaphore(%arg8 : memref<!tpu.dma_semaphore, #tpu.memory_space<semaphore_mem>>) {add = true}
    %scan3A_67 = arith.constant 0 : i32
    %scan3A_68 = arith.constant 120 : i32
    %scan3A_69 = arith.addi %scan3A_67, %scan3A_68 : i32
    %scan3A_70 = arith.constant 1 : i32
    scf.for %scan3A_114 = %scan3A_67 to %scan3A_69 step %scan3A_70  : i32 {
      %mul3A_115 = arith.constant 1 : i32
      %mul3A_116 = arith.muli %scan3A_114, %mul3A_115 : i32
      %add3A_117 = arith.constant 5 : i32
      %add3A_118 = arith.addi %add3A_117, %mul3A_116 : i32
      %dma_start3A_119 = arith.constant 0 : i32
      %dma_start3A_120 = tpu.memref_slice %arg5[%add3A_118, %dma_start3A_119] : memref<125x80xi32, #tpu.memory_space<vmem>> -> memref<1x80xi32, #tpu.memory_space<vmem>>
      %dma_start3A_121 = tpu.memref_squeeze %dma_start3A_120 : memref<1x80xi32, #tpu.memory_space<vmem>> -> memref<80xi32, #tpu.memory_space<vmem>>
      %dma_start3A_122 = arith.constant 0 : i32
      %dma_start3A_123 = arith.constant 0 : i32
      %dma_start3A_124 = tpu.memref_slice %arg7[%dma_start3A_122, %dma_start3A_123] : memref<10000x128xf32, #tpu.memory_space<vmem_shared>> -> memref<10000x128xf32, #tpu.memory_space<vmem_shared>>
      tpu.enqueue_indirect_dma source(%arg4 : memref<80x128xf32, #tpu.memory_space<vmem>>) target(%dma_start3A_124 : memref<10000x128xf32, #tpu.memory_space<vmem_shared>>) offsets(%dma_start3A_121 : memref<80xi32, #tpu.memory_space<vmem>>) semaphore(%arg8 : memref<!tpu.dma_semaphore, #tpu.memory_space<semaphore_mem>>) {add = true}
      %dma_wait3A_125 = arith.constant 0 : i32
      %dma_wait3A_126 = arith.constant 0 : i32
      %dma_wait3A_127 = tpu.memref_slice %arg5[%dma_wait3A_125, %dma_wait3A_126] : memref<125x80xi32, #tpu.memory_space<vmem>> -> memref<1x80xi32, #tpu.memory_space<vmem>>
      %dma_wait3A_128 = tpu.memref_squeeze %dma_wait3A_127 : memref<1x80xi32, #tpu.memory_space<vmem>> -> memref<80xi32, #tpu.memory_space<vmem>>
      %dma_wait3A_129 = arith.constant 0 : i32
      %dma_wait3A_130 = arith.constant 0 : i32
      %dma_wait3A_131 = tpu.memref_slice %arg7[%dma_wait3A_129, %dma_wait3A_130] : memref<10000x128xf32, #tpu.memory_space<vmem_shared>> -> memref<10000x128xf32, #tpu.memory_space<vmem_shared>>
      tpu.wait_indirect_dma semaphore(%arg8 : memref<!tpu.dma_semaphore, #tpu.memory_space<semaphore_mem>>) src(%arg4 : memref<80x128xf32, #tpu.memory_space<vmem>>) dst(%dma_wait3A_131 : memref<10000x128xf32, #tpu.memory_space<vmem_shared>>)
    }
    %scan3A_71 = arith.constant 120 : i32
    %dma_wait3A_72 = arith.constant 0 : i32
    %dma_wait3A_73 = arith.constant 0 : i32
    %dma_wait3A_74 = tpu.memref_slice %arg5[%dma_wait3A_72, %dma_wait3A_73] : memref<125x80xi32, #tpu.memory_space<vmem>> -> memref<1x80xi32, #tpu.memory_space<vmem>>
    %dma_wait3A_75 = tpu.memref_squeeze %dma_wait3A_74 : memref<1x80xi32, #tpu.memory_space<vmem>> -> memref<80xi32, #tpu.memory_space<vmem>>
    %dma_wait3A_76 = arith.constant 0 : i32
    %dma_wait3A_77 = arith.constant 0 : i32
    %dma_wait3A_78 = tpu.memref_slice %arg7[%dma_wait3A_76, %dma_wait3A_77] : memref<10000x128xf32, #tpu.memory_space<vmem_shared>> -> memref<10000x128xf32, #tpu.memory_space<vmem_shared>>
    tpu.wait_indirect_dma semaphore(%arg8 : memref<!tpu.dma_semaphore, #tpu.memory_space<semaphore_mem>>) src(%arg4 : memref<80x128xf32, #tpu.memory_space<vmem>>) dst(%dma_wait3A_78 : memref<10000x128xf32, #tpu.memory_space<vmem_shared>>)
    %dma_wait3A_79 = arith.constant 0 : i32
    %dma_wait3A_80 = arith.constant 0 : i32
    %dma_wait3A_81 = tpu.memref_slice %arg5[%dma_wait3A_79, %dma_wait3A_80] : memref<125x80xi32, #tpu.memory_space<vmem>> -> memref<1x80xi32, #tpu.memory_space<vmem>>
    %dma_wait3A_82 = tpu.memref_squeeze %dma_wait3A_81 : memref<1x80xi32, #tpu.memory_space<vmem>> -> memref<80xi32, #tpu.memory_space<vmem>>
    %dma_wait3A_83 = arith.constant 0 : i32
    %dma_wait3A_84 = arith.constant 0 : i32
    %dma_wait3A_85 = tpu.memref_slice %arg7[%dma_wait3A_83, %dma_wait3A_84] : memref<10000x128xf32, #tpu.memory_space<vmem_shared>> -> memref<10000x128xf32, #tpu.memory_space<vmem_shared>>
    tpu.wait_indirect_dma semaphore(%arg8 : memref<!tpu.dma_semaphore, #tpu.memory_space<semaphore_mem>>) src(%arg4 : memref<80x128xf32, #tpu.memory_space<vmem>>) dst(%dma_wait3A_85 : memref<10000x128xf32, #tpu.memory_space<vmem_shared>>)
    %dma_wait3A_86 = arith.constant 0 : i32
    %dma_wait3A_87 = arith.constant 0 : i32
    %dma_wait3A_88 = tpu.memref_slice %arg5[%dma_wait3A_86, %dma_wait3A_87] : memref<125x80xi32, #tpu.memory_space<vmem>> -> memref<1x80xi32, #tpu.memory_space<vmem>>
    %dma_wait3A_89 = tpu.memref_squeeze %dma_wait3A_88 : memref<1x80xi32, #tpu.memory_space<vmem>> -> memref<80xi32, #tpu.memory_space<vmem>>
    %dma_wait3A_90 = arith.constant 0 : i32
    %dma_wait3A_91 = arith.constant 0 : i32
    %dma_wait3A_92 = tpu.memref_slice %arg7[%dma_wait3A_90, %dma_wait3A_91] : memref<10000x128xf32, #tpu.memory_space<vmem_shared>> -> memref<10000x128xf32, #tpu.memory_space<vmem_shared>>
    tpu.wait_indirect_dma semaphore(%arg8 : memref<!tpu.dma_semaphore, #tpu.memory_space<semaphore_mem>>) src(%arg4 : memref<80x128xf32, #tpu.memory_space<vmem>>) dst(%dma_wait3A_92 : memref<10000x128xf32, #tpu.memory_space<vmem_shared>>)
    %dma_wait3A_93 = arith.constant 0 : i32
    %dma_wait3A_94 = arith.constant 0 : i32
    %dma_wait3A_95 = tpu.memref_slice %arg5[%dma_wait3A_93, %dma_wait3A_94] : memref<125x80xi32, #tpu.memory_space<vmem>> -> memref<1x80xi32, #tpu.memory_space<vmem>>
    %dma_wait3A_96 = tpu.memref_squeeze %dma_wait3A_95 : memref<1x80xi32, #tpu.memory_space<vmem>> -> memref<80xi32, #tpu.memory_space<vmem>>
    %dma_wait3A_97 = arith.constant 0 : i32
    %dma_wait3A_98 = arith.constant 0 : i32
    %dma_wait3A_99 = tpu.memref_slice %arg7[%dma_wait3A_97, %dma_wait3A_98] : memref<10000x128xf32, #tpu.memory_space<vmem_shared>> -> memref<10000x128xf32, #tpu.memory_space<vmem_shared>>
    tpu.wait_indirect_dma semaphore(%arg8 : memref<!tpu.dma_semaphore, #tpu.memory_space<semaphore_mem>>) src(%arg4 : memref<80x128xf32, #tpu.memory_space<vmem>>) dst(%dma_wait3A_99 : memref<10000x128xf32, #tpu.memory_space<vmem_shared>>)
    %dma_wait3A_100 = arith.constant 0 : i32
    %dma_wait3A_101 = arith.constant 0 : i32
    %dma_wait3A_102 = tpu.memref_slice %arg5[%dma_wait3A_100, %dma_wait3A_101] : memref<125x80xi32, #tpu.memory_space<vmem>> -> memref<1x80xi32, #tpu.memory_space<vmem>>
    %dma_wait3A_103 = tpu.memref_squeeze %dma_wait3A_102 : memref<1x80xi32, #tpu.memory_space<vmem>> -> memref<80xi32, #tpu.memory_space<vmem>>
    %dma_wait3A_104 = arith.constant 0 : i32
    %dma_wait3A_105 = arith.constant 0 : i32
    %dma_wait3A_106 = tpu.memref_slice %arg7[%dma_wait3A_104, %dma_wait3A_105] : memref<10000x128xf32, #tpu.memory_space<vmem_shared>> -> memref<10000x128xf32, #tpu.memory_space<vmem_shared>>
    tpu.wait_indirect_dma semaphore(%arg8 : memref<!tpu.dma_semaphore, #tpu.memory_space<semaphore_mem>>) src(%arg4 : memref<80x128xf32, #tpu.memory_space<vmem>>) dst(%dma_wait3A_106 : memref<10000x128xf32, #tpu.memory_space<vmem_shared>>)
    %barrier3A_107 = arith.constant 0 : index
    tpu.barrier barrier_id(%barrier3A_107)
    %mul3A_108 = arith.constant 624 : i32
    %mul3A_109 = arith.muli %arg1, %mul3A_108 : i32
    %mul3A_110 = arith.constant 624 : i32
    %mul3A_111 = arith.muli %arg1, %mul3A_110 : i32
    "tpu.region"() ({
      %run_scoped3A = tpu.sem_alloc : memref<!tpu.dma_semaphore, #tpu.memory_space<semaphore_mem>>
      %dma_start3A_114 = arith.constant 0 : i32
      %dma_start3A_115 = arith.constant 0 : i32
      %dma_start3A_116 = tpu.memref_slice %arg3[%arg0, %dma_start3A_114, %dma_start3A_115] : memref<2x10000x128xf32, #tpu.memory_space<hbm>> -> memref<1x10000x128xf32, #tpu.memory_space<hbm>>
      %dma_start3A_117 = tpu.memref_squeeze %dma_start3A_116 : memref<1x10000x128xf32, #tpu.memory_space<hbm>> -> memref<10000x128xf32, #tpu.memory_space<hbm>>
      %dma_start3A_118 = arith.constant 0 : i32
      %dma_start3A_119 = tpu.memref_slice %dma_start3A_117[%mul3A_111, %dma_start3A_118] : memref<10000x128xf32, #tpu.memory_space<hbm>> -> memref<624x128xf32, #tpu.memory_space<hbm>>
      %dma_start3A_120 = arith.constant 0 : i32
      %dma_start3A_121 = tpu.memref_slice %arg7[%mul3A_109, %dma_start3A_120] : memref<10000x128xf32, #tpu.memory_space<vmem_shared>> -> memref<624x128xf32, #tpu.memory_space<vmem_shared>>
      tpu.enqueue_dma source(%dma_start3A_121 : memref<624x128xf32, #tpu.memory_space<vmem_shared>>) target(%dma_start3A_119 : memref<624x128xf32, #tpu.memory_space<hbm>>) target_semaphore(%run_scoped3A : memref<!tpu.dma_semaphore, #tpu.memory_space<semaphore_mem>>)
      %dma_wait3A_122 = arith.constant 0 : i32
      %dma_wait3A_123 = arith.constant 0 : i32
      %dma_wait3A_124 = tpu.memref_slice %arg3[%arg0, %dma_wait3A_122, %dma_wait3A_123] : memref<2x10000x128xf32, #tpu.memory_space<hbm>> -> memref<1x10000x128xf32, #tpu.memory_space<hbm>>
      %dma_wait3A_125 = tpu.memref_squeeze %dma_wait3A_124 : memref<1x10000x128xf32, #tpu.memory_space<hbm>> -> memref<10000x128xf32, #tpu.memory_space<hbm>>
      %dma_wait3A_126 = arith.constant 0 : i32
      %dma_wait3A_127 = tpu.memref_slice %dma_wait3A_125[%mul3A_111, %dma_wait3A_126] : memref<10000x128xf32, #tpu.memory_space<hbm>> -> memref<624x128xf32, #tpu.memory_space<hbm>>
      %dma_wait3A_128 = arith.constant 0 : i32
      %dma_wait3A_129 = tpu.memref_slice %arg7[%mul3A_109, %dma_wait3A_128] : memref<10000x128xf32, #tpu.memory_space<vmem_shared>> -> memref<624x128xf32, #tpu.memory_space<vmem_shared>>
      tpu.wait_dma2 semaphore(%run_scoped3A : memref<!tpu.dma_semaphore, #tpu.memory_space<semaphore_mem>>) src(%dma_wait3A_129 : memref<624x128xf32, #tpu.memory_space<vmem_shared>>) dst(%dma_wait3A_127 : memref<624x128xf32, #tpu.memory_space<hbm>>)
      tpu.yield
    }) : () -> ()
    %eq3A = arith.constant 15 : i32
    %eq3A_112 = arith.cmpi eq, %arg1, %eq3A : i32
    %convert_element_type3A = arith.extui %eq3A_112 : i1 to i32
    %cond3A = arith.constant 0 : i32
    %cond3A_113 = arith.cmpi ne, %convert_element_type3A, %cond3A : i32
    scf.if %cond3A_113 {
      "tpu.region"() ({
        %run_scoped3A = tpu.sem_alloc : memref<!tpu.dma_semaphore, #tpu.memory_space<semaphore_mem>>
        %dma_start3A_114 = arith.constant 0 : i32
        %dma_start3A_115 = arith.constant 0 : i32
        %dma_start3A_116 = tpu.memref_slice %arg3[%arg0, %dma_start3A_114, %dma_start3A_115] : memref<2x10000x128xf32, #tpu.memory_space<hbm>> -> memref<1x10000x128xf32, #tpu.memory_space<hbm>>
        %dma_start3A_117 = tpu.memref_squeeze %dma_start3A_116 : memref<1x10000x128xf32, #tpu.memory_space<hbm>> -> memref<10000x128xf32, #tpu.memory_space<hbm>>
        %dma_start3A_118 = arith.constant 9984 : i32
        %dma_start3A_119 = arith.constant 0 : i32
        %dma_start3A_120 = tpu.memref_slice %dma_start3A_117[%dma_start3A_118, %dma_start3A_119] : memref<10000x128xf32, #tpu.memory_space<hbm>> -> memref<16x128xf32, #tpu.memory_space<hbm>>
        %dma_start3A_121 = arith.constant 9984 : i32
        %dma_start3A_122 = arith.constant 0 : i32
        %dma_start3A_123 = tpu.memref_slice %arg7[%dma_start3A_121, %dma_start3A_122] : memref<10000x128xf32, #tpu.memory_space<vmem_shared>> -> memref<16x128xf32, #tpu.memory_space<vmem_shared>>
        tpu.enqueue_dma source(%dma_start3A_123 : memref<16x128xf32, #tpu.memory_space<vmem_shared>>) target(%dma_start3A_120 : memref<16x128xf32, #tpu.memory_space<hbm>>) target_semaphore(%run_scoped3A : memref<!tpu.dma_semaphore, #tpu.memory_space<semaphore_mem>>)
        %dma_wait3A_124 = arith.constant 0 : i32
        %dma_wait3A_125 = arith.constant 0 : i32
        %dma_wait3A_126 = tpu.memref_slice %arg3[%arg0, %dma_wait3A_124, %dma_wait3A_125] : memref<2x10000x128xf32, #tpu.memory_space<hbm>> -> memref<1x10000x128xf32, #tpu.memory_space<hbm>>
        %dma_wait3A_127 = tpu.memref_squeeze %dma_wait3A_126 : memref<1x10000x128xf32, #tpu.memory_space<hbm>> -> memref<10000x128xf32, #tpu.memory_space<hbm>>
        %dma_wait3A_128 = arith.constant 9984 : i32
        %dma_wait3A_129 = arith.constant 0 : i32
        %dma_wait3A_130 = tpu.memref_slice %dma_wait3A_127[%dma_wait3A_128, %dma_wait3A_129] : memref<10000x128xf32, #tpu.memory_space<hbm>> -> memref<16x128xf32, #tpu.memory_space<hbm>>
        %dma_wait3A_131 = arith.constant 9984 : i32
        %dma_wait3A_132 = arith.constant 0 : i32
        %dma_wait3A_133 = tpu.memref_slice %arg7[%dma_wait3A_131, %dma_wait3A_132] : memref<10000x128xf32, #tpu.memory_space<vmem_shared>> -> memref<16x128xf32, #tpu.memory_space<vmem_shared>>
        tpu.wait_dma2 semaphore(%run_scoped3A : memref<!tpu.dma_semaphore, #tpu.memory_space<semaphore_mem>>) src(%dma_wait3A_133 : memref<16x128xf32, #tpu.memory_space<vmem_shared>>) dst(%dma_wait3A_130 : memref<16x128xf32, #tpu.memory_space<hbm>>)
        tpu.yield
      }) : () -> ()
    } else {
    }
    return
  }
}

#map = affine_map<(d0, d1) -> (0, 0)>
#map1 = affine_map<(d0, d1) -> (0, 0, 0)>
module attributes {stable_mosaic.version = 14 : i64} {
  func.func @_agg_kernel(%arg0: i32, %arg1: i32, %arg2: memref<10000x128xf32, #tpu.memory_space<hbm>>, %arg3: memref<32x10000xi32, #tpu.memory_space<hbm>>, %arg4: memref<32x125x80xi32, #tpu.memory_space<hbm>>, %arg5: memref<2x10000x128xf32, #tpu.memory_space<hbm>>, %arg6: memref<10000xi32, #tpu.memory_space<vmem>>, %arg7: memref<125x80xi32, #tpu.memory_space<vmem>>, %arg8: memref<80x128xf32, #tpu.memory_space<vmem>>, %arg9: memref<80x128xf32, #tpu.memory_space<vmem>>, %arg10: memref<25x128xf32, #tpu.memory_space<vmem>>, %arg11: memref<10000x128xf32, #tpu.memory_space<vmem_shared>>, %arg12: memref<!tpu.dma_semaphore, #tpu.memory_space<semaphore_mem>>, %arg13: memref<!tpu.dma_semaphore, #tpu.memory_space<semaphore_mem>>, %arg14: memref<!tpu.dma_semaphore, #tpu.memory_space<semaphore_mem>>) attributes {dimension_semantics = [#tpu.dimension_semantics<core_parallel>, #tpu.dimension_semantics<subcore_parallel>], iteration_bounds = array<i64: 2, 16>, scalar_prefetch = 0 : i64, scratch_operands = 9 : i64, tpu.core_type = #tpu.core_type<sc_vector_subcore>, window_params = [{transform_indices = #map}, {transform_indices = #map}, {transform_indices = #map1}, {transform_indices = #map1}]} {
    %mul3A = arith.constant 16 : i32
    %mul3A_0 = arith.muli %arg0, %mul3A : i32
    %add3A = arith.addi %mul3A_0, %arg1 : i32
    %broadcast_in_dim3A = arith.constant 0.000000e+00 : f32
    %broadcast_in_dim3A_1 = vector.broadcast %broadcast_in_dim3A : f32 to vector<16xf32>
    %dma_start3A = arith.constant 0 : i32
    %dma_start3A_2 = tpu.memref_slice %arg3[%add3A, %dma_start3A] : memref<32x10000xi32, #tpu.memory_space<hbm>> -> memref<1x10000xi32, #tpu.memory_space<hbm>>
    %dma_start3A_3 = tpu.memref_squeeze %dma_start3A_2 : memref<1x10000xi32, #tpu.memory_space<hbm>> -> memref<10000xi32, #tpu.memory_space<hbm>>
    %dma_start3A_4 = arith.constant 0 : i32
    %dma_start3A_5 = tpu.memref_slice %arg3[%add3A, %dma_start3A_4] : memref<32x10000xi32, #tpu.memory_space<hbm>> -> memref<1x10000xi32, #tpu.memory_space<hbm>>
    %dma_start3A_6 = tpu.memref_squeeze %dma_start3A_5 : memref<1x10000xi32, #tpu.memory_space<hbm>> -> memref<10000xi32, #tpu.memory_space<hbm>>
    tpu.enqueue_dma source(%dma_start3A_6 : memref<10000xi32, #tpu.memory_space<hbm>>) target(%arg6 : memref<10000xi32, #tpu.memory_space<vmem>>) target_semaphore(%arg12 : memref<!tpu.dma_semaphore, #tpu.memory_space<semaphore_mem>>)
    %dma_start3A_7 = arith.constant 0 : i32
    %dma_start3A_8 = arith.constant 0 : i32
    %dma_start3A_9 = tpu.memref_slice %arg4[%add3A, %dma_start3A_7, %dma_start3A_8] : memref<32x125x80xi32, #tpu.memory_space<hbm>> -> memref<1x125x80xi32, #tpu.memory_space<hbm>>
    %dma_start3A_10 = tpu.memref_squeeze %dma_start3A_9 : memref<1x125x80xi32, #tpu.memory_space<hbm>> -> memref<125x80xi32, #tpu.memory_space<hbm>>
    %dma_start3A_11 = arith.constant 0 : i32
    %dma_start3A_12 = arith.constant 0 : i32
    %dma_start3A_13 = tpu.memref_slice %arg4[%add3A, %dma_start3A_11, %dma_start3A_12] : memref<32x125x80xi32, #tpu.memory_space<hbm>> -> memref<1x125x80xi32, #tpu.memory_space<hbm>>
    %dma_start3A_14 = tpu.memref_squeeze %dma_start3A_13 : memref<1x125x80xi32, #tpu.memory_space<hbm>> -> memref<125x80xi32, #tpu.memory_space<hbm>>
    tpu.enqueue_dma source(%dma_start3A_14 : memref<125x80xi32, #tpu.memory_space<hbm>>) target(%arg7 : memref<125x80xi32, #tpu.memory_space<vmem>>) target_semaphore(%arg12 : memref<!tpu.dma_semaphore, #tpu.memory_space<semaphore_mem>>)
    %scan3A = arith.constant 0 : i32
    %scan3A_15 = arith.constant 25 : i32
    %scan3A_16 = arith.addi %scan3A, %scan3A_15 : i32
    %scan3A_17 = arith.constant 1 : i32
    scf.for %scan3A_84 = %scan3A to %scan3A_16 step %scan3A_17  : i32 {
      %mul3A_85 = arith.constant 1 : i32
      %mul3A_86 = arith.muli %scan3A_84, %mul3A_85 : i32
      %add3A_87 = arith.constant 0 : i32
      %add3A_88 = arith.addi %add3A_87, %mul3A_86 : i32
      %scan3A_89 = arith.constant 0 : i32
      %scan3A_90 = arith.constant 8 : i32
      %scan3A_91 = arith.addi %scan3A_89, %scan3A_90 : i32
      %scan3A_92 = arith.constant 1 : i32
      scf.for %scan3A_94 = %scan3A_89 to %scan3A_91 step %scan3A_92  : i32 {
        %mul3A_95 = arith.constant 1 : i32
        %mul3A_96 = arith.muli %scan3A_94, %mul3A_95 : i32
        %add3A_97 = arith.constant 0 : i32
        %add3A_98 = arith.addi %add3A_97, %mul3A_96 : i32
        %mul3A_99 = arith.constant 16 : i32
        %mul3A_100 = arith.muli %add3A_98, %mul3A_99 : i32
        %swap3A = arith.index_cast %add3A_88 : i32 to index
        %swap3A_101 = arith.index_cast %mul3A_100 : i32 to index
        %swap3A_102 = tpu.vector_load %arg10[%swap3A, %swap3A_101] {strides = array<i32>} : memref<25x128xf32, #tpu.memory_space<vmem>>, vector<1x16xf32>,
        %swap3A_103 = vector.shape_cast %swap3A_102 : vector<1x16xf32> to vector<16xf32>
        %swap3A_104 = vector.shape_cast %broadcast_in_dim3A_1 : vector<16xf32> to vector<1x16xf32>
        tpu.vector_store %arg10[%swap3A, %swap3A_101], %swap3A_104 {strides = array<i32>} : memref<25x128xf32, #tpu.memory_space<vmem>>, vector<1x16xf32>,
      }
      %scan3A_93 = arith.constant 8 : i32
    }
    %scan3A_18 = arith.constant 25 : i32
    %scan3A_19 = arith.constant 0 : i32
    %scan3A_20 = arith.constant 25 : i32
    %scan3A_21 = arith.addi %scan3A_19, %scan3A_20 : i32
    %scan3A_22 = arith.constant 1 : i32
    scf.for %scan3A_84 = %scan3A_19 to %scan3A_21 step %scan3A_22  : i32 {
      %mul3A_85 = arith.constant 1 : i32
      %mul3A_86 = arith.muli %scan3A_84, %mul3A_85 : i32
      %add3A_87 = arith.constant 0 : i32
      %add3A_88 = arith.addi %add3A_87, %mul3A_86 : i32
      %mul3A_89 = arith.constant 625 : i32
      %mul3A_90 = arith.muli %arg1, %mul3A_89 : i32
      %mul3A_91 = arith.constant 25 : i32
      %mul3A_92 = arith.muli %add3A_88, %mul3A_91 : i32
      %add3A_93 = arith.addi %mul3A_90, %mul3A_92 : i32
      "tpu.region"() ({
        %run_scoped3A_94 = tpu.sem_alloc : memref<!tpu.dma_semaphore, #tpu.memory_space<semaphore_mem>>
        %dma_start3A_95 = arith.constant 0 : i32
        %dma_start3A_96 = tpu.memref_slice %arg11[%add3A_93, %dma_start3A_95] : memref<10000x128xf32, #tpu.memory_space<vmem_shared>> -> memref<25x128xf32, #tpu.memory_space<vmem_shared>>
        %dma_start3A_97 = arith.constant 0 : i32
        %dma_start3A_98 = tpu.memref_slice %arg11[%add3A_93, %dma_start3A_97] : memref<10000x128xf32, #tpu.memory_space<vmem_shared>> -> memref<25x128xf32, #tpu.memory_space<vmem_shared>>
        tpu.enqueue_dma source(%arg10 : memref<25x128xf32, #tpu.memory_space<vmem>>) target(%dma_start3A_98 : memref<25x128xf32, #tpu.memory_space<vmem_shared>>) target_semaphore(%run_scoped3A_94 : memref<!tpu.dma_semaphore, #tpu.memory_space<semaphore_mem>>)
        %dma_wait3A_99 = arith.constant 0 : i32
        %dma_wait3A_100 = tpu.memref_slice %arg11[%add3A_93, %dma_wait3A_99] : memref<10000x128xf32, #tpu.memory_space<vmem_shared>> -> memref<25x128xf32, #tpu.memory_space<vmem_shared>>
        %dma_wait3A_101 = arith.constant 0 : i32
        %dma_wait3A_102 = tpu.memref_slice %arg11[%add3A_93, %dma_wait3A_101] : memref<10000x128xf32, #tpu.memory_space<vmem_shared>> -> memref<25x128xf32, #tpu.memory_space<vmem_shared>>
        tpu.wait_dma2 semaphore(%run_scoped3A_94 : memref<!tpu.dma_semaphore, #tpu.memory_space<semaphore_mem>>) src(%arg10 : memref<25x128xf32, #tpu.memory_space<vmem>>) dst(%dma_wait3A_102 : memref<25x128xf32, #tpu.memory_space<vmem_shared>>)
        tpu.yield
      }) : () -> ()
    }
    %scan3A_23 = arith.constant 25 : i32
    %dma_wait3A = arith.constant 0 : i32
    %dma_wait3A_24 = tpu.memref_slice %arg3[%add3A, %dma_wait3A] : memref<32x10000xi32, #tpu.memory_space<hbm>> -> memref<1x10000xi32, #tpu.memory_space<hbm>>
    %dma_wait3A_25 = tpu.memref_squeeze %dma_wait3A_24 : memref<1x10000xi32, #tpu.memory_space<hbm>> -> memref<10000xi32, #tpu.memory_space<hbm>>
    %dma_wait3A_26 = arith.constant 0 : i32
    %dma_wait3A_27 = tpu.memref_slice %arg3[%add3A, %dma_wait3A_26] : memref<32x10000xi32, #tpu.memory_space<hbm>> -> memref<1x10000xi32, #tpu.memory_space<hbm>>
    %dma_wait3A_28 = tpu.memref_squeeze %dma_wait3A_27 : memref<1x10000xi32, #tpu.memory_space<hbm>> -> memref<10000xi32, #tpu.memory_space<hbm>>
    tpu.wait_dma2 semaphore(%arg12 : memref<!tpu.dma_semaphore, #tpu.memory_space<semaphore_mem>>) src(%dma_wait3A_28 : memref<10000xi32, #tpu.memory_space<hbm>>) dst(%arg6 : memref<10000xi32, #tpu.memory_space<vmem>>)
    %dma_wait3A_29 = arith.constant 0 : i32
    %dma_wait3A_30 = arith.constant 0 : i32
    %dma_wait3A_31 = tpu.memref_slice %arg4[%add3A, %dma_wait3A_29, %dma_wait3A_30] : memref<32x125x80xi32, #tpu.memory_space<hbm>> -> memref<1x125x80xi32, #tpu.memory_space<hbm>>
    %dma_wait3A_32 = tpu.memref_squeeze %dma_wait3A_31 : memref<1x125x80xi32, #tpu.memory_space<hbm>> -> memref<125x80xi32, #tpu.memory_space<hbm>>
    %dma_wait3A_33 = arith.constant 0 : i32
    %dma_wait3A_34 = arith.constant 0 : i32
    %dma_wait3A_35 = tpu.memref_slice %arg4[%add3A, %dma_wait3A_33, %dma_wait3A_34] : memref<32x125x80xi32, #tpu.memory_space<hbm>> -> memref<1x125x80xi32, #tpu.memory_space<hbm>>
    %dma_wait3A_36 = tpu.memref_squeeze %dma_wait3A_35 : memref<1x125x80xi32, #tpu.memory_space<hbm>> -> memref<125x80xi32, #tpu.memory_space<hbm>>
    tpu.wait_dma2 semaphore(%arg12 : memref<!tpu.dma_semaphore, #tpu.memory_space<semaphore_mem>>) src(%dma_wait3A_36 : memref<125x80xi32, #tpu.memory_space<hbm>>) dst(%arg7 : memref<125x80xi32, #tpu.memory_space<vmem>>)
    %barrier3A = arith.constant 0 : index
    tpu.barrier barrier_id(%barrier3A)
    %dma_start3A_37 = arith.constant 0 : i32
    %dma_start3A_38 = tpu.memref_slice %arg6[%dma_start3A_37] : memref<10000xi32, #tpu.memory_space<vmem>> -> memref<80xi32, #tpu.memory_space<vmem>>
    %dma_start3A_39 = arith.constant 0 : i32
    %dma_start3A_40 = arith.constant 0 : i32
    %dma_start3A_41 = tpu.memref_slice %arg2[%dma_start3A_39, %dma_start3A_40] : memref<10000x128xf32, #tpu.memory_space<hbm>> -> memref<10000x128xf32, #tpu.memory_space<hbm>>
    tpu.enqueue_indirect_dma source(%dma_start3A_41 : memref<10000x128xf32, #tpu.memory_space<hbm>>) target(%arg8 : memref<80x128xf32, #tpu.memory_space<vmem>>) offsets(%dma_start3A_38 : memref<80xi32, #tpu.memory_space<vmem>>) semaphore(%arg13 : memref<!tpu.dma_semaphore, #tpu.memory_space<semaphore_mem>>)
    %dma_start3A_42 = arith.constant 80 : i32
    %dma_start3A_43 = tpu.memref_slice %arg6[%dma_start3A_42] : memref<10000xi32, #tpu.memory_space<vmem>> -> memref<80xi32, #tpu.memory_space<vmem>>
    %dma_start3A_44 = arith.constant 0 : i32
    %dma_start3A_45 = arith.constant 0 : i32
    %dma_start3A_46 = tpu.memref_slice %arg2[%dma_start3A_44, %dma_start3A_45] : memref<10000x128xf32, #tpu.memory_space<hbm>> -> memref<10000x128xf32, #tpu.memory_space<hbm>>
    tpu.enqueue_indirect_dma source(%dma_start3A_46 : memref<10000x128xf32, #tpu.memory_space<hbm>>) target(%arg9 : memref<80x128xf32, #tpu.memory_space<vmem>>) offsets(%dma_start3A_43 : memref<80xi32, #tpu.memory_space<vmem>>) semaphore(%arg14 : memref<!tpu.dma_semaphore, #tpu.memory_space<semaphore_mem>>)
    %scan3A_47 = arith.constant 0 : i32
    %scan3A_48 = arith.constant 61 : i32
    %scan3A_49 = arith.addi %scan3A_47, %scan3A_48 : i32
    %scan3A_50 = arith.constant 1 : i32
    scf.for %scan3A_84 = %scan3A_47 to %scan3A_49 step %scan3A_50  : i32 {
      %mul3A_85 = arith.constant 1 : i32
      %mul3A_86 = arith.muli %scan3A_84, %mul3A_85 : i32
      %add3A_87 = arith.constant 0 : i32
      %add3A_88 = arith.addi %add3A_87, %mul3A_86 : i32
      %mul3A_89 = arith.constant 2 : i32
      %mul3A_90 = arith.muli %mul3A_89, %add3A_88 : i32
      %dma_wait3A_91 = arith.constant 0 : i32
      %dma_wait3A_92 = arith.constant 0 : i32
      %dma_wait3A_93 = tpu.memref_slice %arg2[%dma_wait3A_91, %dma_wait3A_92] : memref<10000x128xf32, #tpu.memory_space<hbm>> -> memref<80x128xf32, #tpu.memory_space<hbm>>
      %dma_wait3A_94 = arith.constant 0 : i32
      %dma_wait3A_95 = arith.constant 0 : i32
      %dma_wait3A_96 = tpu.memref_slice %arg2[%dma_wait3A_94, %dma_wait3A_95] : memref<10000x128xf32, #tpu.memory_space<hbm>> -> memref<80x128xf32, #tpu.memory_space<hbm>>
      tpu.wait_dma2 semaphore(%arg13 : memref<!tpu.dma_semaphore, #tpu.memory_space<semaphore_mem>>) src(%dma_wait3A_96 : memref<80x128xf32, #tpu.memory_space<hbm>>) dst(%arg8 : memref<80x128xf32, #tpu.memory_space<vmem>>)
      "tpu.region"() ({
        %run_scoped3A_121 = tpu.sem_alloc : memref<!tpu.dma_semaphore, #tpu.memory_space<semaphore_mem>>
        %dma_start3A_122 = arith.constant 0 : i32
        %dma_start3A_123 = tpu.memref_slice %arg7[%mul3A_90, %dma_start3A_122] : memref<125x80xi32, #tpu.memory_space<vmem>> -> memref<1x80xi32, #tpu.memory_space<vmem>>
        %dma_start3A_124 = tpu.memref_squeeze %dma_start3A_123 : memref<1x80xi32, #tpu.memory_space<vmem>> -> memref<80xi32, #tpu.memory_space<vmem>>
        %dma_start3A_125 = arith.constant 0 : i32
        %dma_start3A_126 = arith.constant 0 : i32
        %dma_start3A_127 = tpu.memref_slice %arg11[%dma_start3A_125, %dma_start3A_126] : memref<10000x128xf32, #tpu.memory_space<vmem_shared>> -> memref<10000x128xf32, #tpu.memory_space<vmem_shared>>
        tpu.enqueue_indirect_dma source(%arg8 : memref<80x128xf32, #tpu.memory_space<vmem>>) target(%dma_start3A_127 : memref<10000x128xf32, #tpu.memory_space<vmem_shared>>) offsets(%dma_start3A_124 : memref<80xi32, #tpu.memory_space<vmem>>) semaphore(%run_scoped3A_121 : memref<!tpu.dma_semaphore, #tpu.memory_space<semaphore_mem>>) {add = true}
        %dma_wait3A_128 = arith.constant 0 : i32
        %dma_wait3A_129 = tpu.memref_slice %arg7[%mul3A_90, %dma_wait3A_128] : memref<125x80xi32, #tpu.memory_space<vmem>> -> memref<1x80xi32, #tpu.memory_space<vmem>>
        %dma_wait3A_130 = tpu.memref_squeeze %dma_wait3A_129 : memref<1x80xi32, #tpu.memory_space<vmem>> -> memref<80xi32, #tpu.memory_space<vmem>>
        %dma_wait3A_131 = arith.constant 0 : i32
        %dma_wait3A_132 = arith.constant 0 : i32
        %dma_wait3A_133 = tpu.memref_slice %arg11[%dma_wait3A_131, %dma_wait3A_132] : memref<10000x128xf32, #tpu.memory_space<vmem_shared>> -> memref<10000x128xf32, #tpu.memory_space<vmem_shared>>
        tpu.wait_indirect_dma semaphore(%run_scoped3A_121 : memref<!tpu.dma_semaphore, #tpu.memory_space<semaphore_mem>>) src(%arg8 : memref<80x128xf32, #tpu.memory_space<vmem>>) dst(%dma_wait3A_133 : memref<10000x128xf32, #tpu.memory_space<vmem_shared>>)
        tpu.yield
      }) : () -> ()
      %add3A_97 = arith.constant 2 : i32
      %add3A_98 = arith.addi %mul3A_90, %add3A_97 : i32
      %mul3A_99 = arith.constant 80 : i32
      %mul3A_100 = arith.muli %add3A_98, %mul3A_99 : i32
      %dma_start3A_101 = tpu.memref_slice %arg6[%mul3A_100] : memref<10000xi32, #tpu.memory_space<vmem>> -> memref<80xi32, #tpu.memory_space<vmem>>
      %dma_start3A_102 = arith.constant 0 : i32
      %dma_start3A_103 = arith.constant 0 : i32
      %dma_start3A_104 = tpu.memref_slice %arg2[%dma_start3A_102, %dma_start3A_103] : memref<10000x128xf32, #tpu.memory_space<hbm>> -> memref<10000x128xf32, #tpu.memory_space<hbm>>
      tpu.enqueue_indirect_dma source(%dma_start3A_104 : memref<10000x128xf32, #tpu.memory_space<hbm>>) target(%arg8 : memref<80x128xf32, #tpu.memory_space<vmem>>) offsets(%dma_start3A_101 : memref<80xi32, #tpu.memory_space<vmem>>) semaphore(%arg13 : memref<!tpu.dma_semaphore, #tpu.memory_space<semaphore_mem>>)
      %dma_wait3A_105 = arith.constant 0 : i32
      %dma_wait3A_106 = arith.constant 0 : i32
      %dma_wait3A_107 = tpu.memref_slice %arg2[%dma_wait3A_105, %dma_wait3A_106] : memref<10000x128xf32, #tpu.memory_space<hbm>> -> memref<80x128xf32, #tpu.memory_space<hbm>>
      %dma_wait3A_108 = arith.constant 0 : i32
      %dma_wait3A_109 = arith.constant 0 : i32
      %dma_wait3A_110 = tpu.memref_slice %arg2[%dma_wait3A_108, %dma_wait3A_109] : memref<10000x128xf32, #tpu.memory_space<hbm>> -> memref<80x128xf32, #tpu.memory_space<hbm>>
      tpu.wait_dma2 semaphore(%arg14 : memref<!tpu.dma_semaphore, #tpu.memory_space<semaphore_mem>>) src(%dma_wait3A_110 : memref<80x128xf32, #tpu.memory_space<hbm>>) dst(%arg9 : memref<80x128xf32, #tpu.memory_space<vmem>>)
      %add3A_111 = arith.constant 1 : i32
      %add3A_112 = arith.addi %mul3A_90, %add3A_111 : i32
      "tpu.region"() ({
        %run_scoped3A_121 = tpu.sem_alloc : memref<!tpu.dma_semaphore, #tpu.memory_space<semaphore_mem>>
        %dma_start3A_122 = arith.constant 0 : i32
        %dma_start3A_123 = tpu.memref_slice %arg7[%add3A_112, %dma_start3A_122] : memref<125x80xi32, #tpu.memory_space<vmem>> -> memref<1x80xi32, #tpu.memory_space<vmem>>
        %dma_start3A_124 = tpu.memref_squeeze %dma_start3A_123 : memref<1x80xi32, #tpu.memory_space<vmem>> -> memref<80xi32, #tpu.memory_space<vmem>>
        %dma_start3A_125 = arith.constant 0 : i32
        %dma_start3A_126 = arith.constant 0 : i32
        %dma_start3A_127 = tpu.memref_slice %arg11[%dma_start3A_125, %dma_start3A_126] : memref<10000x128xf32, #tpu.memory_space<vmem_shared>> -> memref<10000x128xf32, #tpu.memory_space<vmem_shared>>
        tpu.enqueue_indirect_dma source(%arg9 : memref<80x128xf32, #tpu.memory_space<vmem>>) target(%dma_start3A_127 : memref<10000x128xf32, #tpu.memory_space<vmem_shared>>) offsets(%dma_start3A_124 : memref<80xi32, #tpu.memory_space<vmem>>) semaphore(%run_scoped3A_121 : memref<!tpu.dma_semaphore, #tpu.memory_space<semaphore_mem>>) {add = true}
        %dma_wait3A_128 = arith.constant 0 : i32
        %dma_wait3A_129 = tpu.memref_slice %arg7[%add3A_112, %dma_wait3A_128] : memref<125x80xi32, #tpu.memory_space<vmem>> -> memref<1x80xi32, #tpu.memory_space<vmem>>
        %dma_wait3A_130 = tpu.memref_squeeze %dma_wait3A_129 : memref<1x80xi32, #tpu.memory_space<vmem>> -> memref<80xi32, #tpu.memory_space<vmem>>
        %dma_wait3A_131 = arith.constant 0 : i32
        %dma_wait3A_132 = arith.constant 0 : i32
        %dma_wait3A_133 = tpu.memref_slice %arg11[%dma_wait3A_131, %dma_wait3A_132] : memref<10000x128xf32, #tpu.memory_space<vmem_shared>> -> memref<10000x128xf32, #tpu.memory_space<vmem_shared>>
        tpu.wait_indirect_dma semaphore(%run_scoped3A_121 : memref<!tpu.dma_semaphore, #tpu.memory_space<semaphore_mem>>) src(%arg9 : memref<80x128xf32, #tpu.memory_space<vmem>>) dst(%dma_wait3A_133 : memref<10000x128xf32, #tpu.memory_space<vmem_shared>>)
        tpu.yield
      }) : () -> ()
      %add3A_113 = arith.constant 3 : i32
      %add3A_114 = arith.addi %mul3A_90, %add3A_113 : i32
      %mul3A_115 = arith.constant 80 : i32
      %mul3A_116 = arith.muli %add3A_114, %mul3A_115 : i32
      %dma_start3A_117 = tpu.memref_slice %arg6[%mul3A_116] : memref<10000xi32, #tpu.memory_space<vmem>> -> memref<80xi32, #tpu.memory_space<vmem>>
      %dma_start3A_118 = arith.constant 0 : i32
      %dma_start3A_119 = arith.constant 0 : i32
      %dma_start3A_120 = tpu.memref_slice %arg2[%dma_start3A_118, %dma_start3A_119] : memref<10000x128xf32, #tpu.memory_space<hbm>> -> memref<10000x128xf32, #tpu.memory_space<hbm>>
      tpu.enqueue_indirect_dma source(%dma_start3A_120 : memref<10000x128xf32, #tpu.memory_space<hbm>>) target(%arg9 : memref<80x128xf32, #tpu.memory_space<vmem>>) offsets(%dma_start3A_117 : memref<80xi32, #tpu.memory_space<vmem>>) semaphore(%arg14 : memref<!tpu.dma_semaphore, #tpu.memory_space<semaphore_mem>>)
    }
    %scan3A_51 = arith.constant 61 : i32
    %dma_wait3A_52 = arith.constant 0 : i32
    %dma_wait3A_53 = arith.constant 0 : i32
    %dma_wait3A_54 = tpu.memref_slice %arg2[%dma_wait3A_52, %dma_wait3A_53] : memref<10000x128xf32, #tpu.memory_space<hbm>> -> memref<80x128xf32, #tpu.memory_space<hbm>>
    %dma_wait3A_55 = arith.constant 0 : i32
    %dma_wait3A_56 = arith.constant 0 : i32
    %dma_wait3A_57 = tpu.memref_slice %arg2[%dma_wait3A_55, %dma_wait3A_56] : memref<10000x128xf32, #tpu.memory_space<hbm>> -> memref<80x128xf32, #tpu.memory_space<hbm>>
    tpu.wait_dma2 semaphore(%arg13 : memref<!tpu.dma_semaphore, #tpu.memory_space<semaphore_mem>>) src(%dma_wait3A_57 : memref<80x128xf32, #tpu.memory_space<hbm>>) dst(%arg8 : memref<80x128xf32, #tpu.memory_space<vmem>>)
    %run_scoped3A = arith.constant 122 : i32
    "tpu.region"() ({
      %run_scoped3A_84 = tpu.sem_alloc : memref<!tpu.dma_semaphore, #tpu.memory_space<semaphore_mem>>
      %dma_start3A_85 = arith.constant 0 : i32
      %dma_start3A_86 = tpu.memref_slice %arg7[%run_scoped3A, %dma_start3A_85] : memref<125x80xi32, #tpu.memory_space<vmem>> -> memref<1x80xi32, #tpu.memory_space<vmem>>
      %dma_start3A_87 = tpu.memref_squeeze %dma_start3A_86 : memref<1x80xi32, #tpu.memory_space<vmem>> -> memref<80xi32, #tpu.memory_space<vmem>>
      %dma_start3A_88 = arith.constant 0 : i32
      %dma_start3A_89 = arith.constant 0 : i32
      %dma_start3A_90 = tpu.memref_slice %arg11[%dma_start3A_88, %dma_start3A_89] : memref<10000x128xf32, #tpu.memory_space<vmem_shared>> -> memref<10000x128xf32, #tpu.memory_space<vmem_shared>>
      tpu.enqueue_indirect_dma source(%arg8 : memref<80x128xf32, #tpu.memory_space<vmem>>) target(%dma_start3A_90 : memref<10000x128xf32, #tpu.memory_space<vmem_shared>>) offsets(%dma_start3A_87 : memref<80xi32, #tpu.memory_space<vmem>>) semaphore(%run_scoped3A_84 : memref<!tpu.dma_semaphore, #tpu.memory_space<semaphore_mem>>) {add = true}
      %dma_wait3A_91 = arith.constant 0 : i32
      %dma_wait3A_92 = tpu.memref_slice %arg7[%run_scoped3A, %dma_wait3A_91] : memref<125x80xi32, #tpu.memory_space<vmem>> -> memref<1x80xi32, #tpu.memory_space<vmem>>
      %dma_wait3A_93 = tpu.memref_squeeze %dma_wait3A_92 : memref<1x80xi32, #tpu.memory_space<vmem>> -> memref<80xi32, #tpu.memory_space<vmem>>
      %dma_wait3A_94 = arith.constant 0 : i32
      %dma_wait3A_95 = arith.constant 0 : i32
      %dma_wait3A_96 = tpu.memref_slice %arg11[%dma_wait3A_94, %dma_wait3A_95] : memref<10000x128xf32, #tpu.memory_space<vmem_shared>> -> memref<10000x128xf32, #tpu.memory_space<vmem_shared>>
      tpu.wait_indirect_dma semaphore(%run_scoped3A_84 : memref<!tpu.dma_semaphore, #tpu.memory_space<semaphore_mem>>) src(%arg8 : memref<80x128xf32, #tpu.memory_space<vmem>>) dst(%dma_wait3A_96 : memref<10000x128xf32, #tpu.memory_space<vmem_shared>>)
      tpu.yield
    }) : () -> ()
    %dma_start3A_58 = arith.constant 9920 : i32
    %dma_start3A_59 = tpu.memref_slice %arg6[%dma_start3A_58] : memref<10000xi32, #tpu.memory_space<vmem>> -> memref<80xi32, #tpu.memory_space<vmem>>
    %dma_start3A_60 = arith.constant 0 : i32
    %dma_start3A_61 = arith.constant 0 : i32
    %dma_start3A_62 = tpu.memref_slice %arg2[%dma_start3A_60, %dma_start3A_61] : memref<10000x128xf32, #tpu.memory_space<hbm>> -> memref<10000x128xf32, #tpu.memory_space<hbm>>
    tpu.enqueue_indirect_dma source(%dma_start3A_62 : memref<10000x128xf32, #tpu.memory_space<hbm>>) target(%arg8 : memref<80x128xf32, #tpu.memory_space<vmem>>) offsets(%dma_start3A_59 : memref<80xi32, #tpu.memory_space<vmem>>) semaphore(%arg13 : memref<!tpu.dma_semaphore, #tpu.memory_space<semaphore_mem>>)
    %dma_wait3A_63 = arith.constant 0 : i32
    %dma_wait3A_64 = arith.constant 0 : i32
    %dma_wait3A_65 = tpu.memref_slice %arg2[%dma_wait3A_63, %dma_wait3A_64] : memref<10000x128xf32, #tpu.memory_space<hbm>> -> memref<80x128xf32, #tpu.memory_space<hbm>>
    %dma_wait3A_66 = arith.constant 0 : i32
    %dma_wait3A_67 = arith.constant 0 : i32
    %dma_wait3A_68 = tpu.memref_slice %arg2[%dma_wait3A_66, %dma_wait3A_67] : memref<10000x128xf32, #tpu.memory_space<hbm>> -> memref<80x128xf32, #tpu.memory_space<hbm>>
    tpu.wait_dma2 semaphore(%arg14 : memref<!tpu.dma_semaphore, #tpu.memory_space<semaphore_mem>>) src(%dma_wait3A_68 : memref<80x128xf32, #tpu.memory_space<hbm>>) dst(%arg9 : memref<80x128xf32, #tpu.memory_space<vmem>>)
    %run_scoped3A_69 = arith.constant 123 : i32
    "tpu.region"() ({
      %run_scoped3A_84 = tpu.sem_alloc : memref<!tpu.dma_semaphore, #tpu.memory_space<semaphore_mem>>
      %dma_start3A_85 = arith.constant 0 : i32
      %dma_start3A_86 = tpu.memref_slice %arg7[%run_scoped3A_69, %dma_start3A_85] : memref<125x80xi32, #tpu.memory_space<vmem>> -> memref<1x80xi32, #tpu.memory_space<vmem>>
      %dma_start3A_87 = tpu.memref_squeeze %dma_start3A_86 : memref<1x80xi32, #tpu.memory_space<vmem>> -> memref<80xi32, #tpu.memory_space<vmem>>
      %dma_start3A_88 = arith.constant 0 : i32
      %dma_start3A_89 = arith.constant 0 : i32
      %dma_start3A_90 = tpu.memref_slice %arg11[%dma_start3A_88, %dma_start3A_89] : memref<10000x128xf32, #tpu.memory_space<vmem_shared>> -> memref<10000x128xf32, #tpu.memory_space<vmem_shared>>
      tpu.enqueue_indirect_dma source(%arg9 : memref<80x128xf32, #tpu.memory_space<vmem>>) target(%dma_start3A_90 : memref<10000x128xf32, #tpu.memory_space<vmem_shared>>) offsets(%dma_start3A_87 : memref<80xi32, #tpu.memory_space<vmem>>) semaphore(%run_scoped3A_84 : memref<!tpu.dma_semaphore, #tpu.memory_space<semaphore_mem>>) {add = true}
      %dma_wait3A_91 = arith.constant 0 : i32
      %dma_wait3A_92 = tpu.memref_slice %arg7[%run_scoped3A_69, %dma_wait3A_91] : memref<125x80xi32, #tpu.memory_space<vmem>> -> memref<1x80xi32, #tpu.memory_space<vmem>>
      %dma_wait3A_93 = tpu.memref_squeeze %dma_wait3A_92 : memref<1x80xi32, #tpu.memory_space<vmem>> -> memref<80xi32, #tpu.memory_space<vmem>>
      %dma_wait3A_94 = arith.constant 0 : i32
      %dma_wait3A_95 = arith.constant 0 : i32
      %dma_wait3A_96 = tpu.memref_slice %arg11[%dma_wait3A_94, %dma_wait3A_95] : memref<10000x128xf32, #tpu.memory_space<vmem_shared>> -> memref<10000x128xf32, #tpu.memory_space<vmem_shared>>
      tpu.wait_indirect_dma semaphore(%run_scoped3A_84 : memref<!tpu.dma_semaphore, #tpu.memory_space<semaphore_mem>>) src(%arg9 : memref<80x128xf32, #tpu.memory_space<vmem>>) dst(%dma_wait3A_96 : memref<10000x128xf32, #tpu.memory_space<vmem_shared>>)
      tpu.yield
    }) : () -> ()
    %dma_wait3A_70 = arith.constant 0 : i32
    %dma_wait3A_71 = arith.constant 0 : i32
    %dma_wait3A_72 = tpu.memref_slice %arg2[%dma_wait3A_70, %dma_wait3A_71] : memref<10000x128xf32, #tpu.memory_space<hbm>> -> memref<80x128xf32, #tpu.memory_space<hbm>>
    %dma_wait3A_73 = arith.constant 0 : i32
    %dma_wait3A_74 = arith.constant 0 : i32
    %dma_wait3A_75 = tpu.memref_slice %arg2[%dma_wait3A_73, %dma_wait3A_74] : memref<10000x128xf32, #tpu.memory_space<hbm>> -> memref<80x128xf32, #tpu.memory_space<hbm>>
    tpu.wait_dma2 semaphore(%arg13 : memref<!tpu.dma_semaphore, #tpu.memory_space<semaphore_mem>>) src(%dma_wait3A_75 : memref<80x128xf32, #tpu.memory_space<hbm>>) dst(%arg8 : memref<80x128xf32, #tpu.memory_space<vmem>>)
    %run_scoped3A_76 = arith.constant 124 : i32
    "tpu.region"() ({
      %run_scoped3A_84 = tpu.sem_alloc : memref<!tpu.dma_semaphore, #tpu.memory_space<semaphore_mem>>
      %dma_start3A_85 = arith.constant 0 : i32
      %dma_start3A_86 = tpu.memref_slice %arg7[%run_scoped3A_76, %dma_start3A_85] : memref<125x80xi32, #tpu.memory_space<vmem>> -> memref<1x80xi32, #tpu.memory_space<vmem>>
      %dma_start3A_87 = tpu.memref_squeeze %dma_start3A_86 : memref<1x80xi32, #tpu.memory_space<vmem>> -> memref<80xi32, #tpu.memory_space<vmem>>
      %dma_start3A_88 = arith.constant 0 : i32
      %dma_start3A_89 = arith.constant 0 : i32
      %dma_start3A_90 = tpu.memref_slice %arg11[%dma_start3A_88, %dma_start3A_89] : memref<10000x128xf32, #tpu.memory_space<vmem_shared>> -> memref<10000x128xf32, #tpu.memory_space<vmem_shared>>
      tpu.enqueue_indirect_dma source(%arg8 : memref<80x128xf32, #tpu.memory_space<vmem>>) target(%dma_start3A_90 : memref<10000x128xf32, #tpu.memory_space<vmem_shared>>) offsets(%dma_start3A_87 : memref<80xi32, #tpu.memory_space<vmem>>) semaphore(%run_scoped3A_84 : memref<!tpu.dma_semaphore, #tpu.memory_space<semaphore_mem>>) {add = true}
      %dma_wait3A_91 = arith.constant 0 : i32
      %dma_wait3A_92 = tpu.memref_slice %arg7[%run_scoped3A_76, %dma_wait3A_91] : memref<125x80xi32, #tpu.memory_space<vmem>> -> memref<1x80xi32, #tpu.memory_space<vmem>>
      %dma_wait3A_93 = tpu.memref_squeeze %dma_wait3A_92 : memref<1x80xi32, #tpu.memory_space<vmem>> -> memref<80xi32, #tpu.memory_space<vmem>>
      %dma_wait3A_94 = arith.constant 0 : i32
      %dma_wait3A_95 = arith.constant 0 : i32
      %dma_wait3A_96 = tpu.memref_slice %arg11[%dma_wait3A_94, %dma_wait3A_95] : memref<10000x128xf32, #tpu.memory_space<vmem_shared>> -> memref<10000x128xf32, #tpu.memory_space<vmem_shared>>
      tpu.wait_indirect_dma semaphore(%run_scoped3A_84 : memref<!tpu.dma_semaphore, #tpu.memory_space<semaphore_mem>>) src(%arg8 : memref<80x128xf32, #tpu.memory_space<vmem>>) dst(%dma_wait3A_96 : memref<10000x128xf32, #tpu.memory_space<vmem_shared>>)
      tpu.yield
    }) : () -> ()
    %barrier3A_77 = arith.constant 0 : index
    tpu.barrier barrier_id(%barrier3A_77)
    %mul3A_78 = arith.constant 624 : i32
    %mul3A_79 = arith.muli %arg1, %mul3A_78 : i32
    %mul3A_80 = arith.constant 624 : i32
    %mul3A_81 = arith.muli %arg1, %mul3A_80 : i32
    "tpu.region"() ({
      %run_scoped3A_84 = tpu.sem_alloc : memref<!tpu.dma_semaphore, #tpu.memory_space<semaphore_mem>>
      %dma_start3A_85 = arith.constant 0 : i32
      %dma_start3A_86 = arith.constant 0 : i32
      %dma_start3A_87 = tpu.memref_slice %arg5[%arg0, %dma_start3A_85, %dma_start3A_86] : memref<2x10000x128xf32, #tpu.memory_space<hbm>> -> memref<1x10000x128xf32, #tpu.memory_space<hbm>>
      %dma_start3A_88 = tpu.memref_squeeze %dma_start3A_87 : memref<1x10000x128xf32, #tpu.memory_space<hbm>> -> memref<10000x128xf32, #tpu.memory_space<hbm>>
      %dma_start3A_89 = arith.constant 0 : i32
      %dma_start3A_90 = tpu.memref_slice %dma_start3A_88[%mul3A_81, %dma_start3A_89] : memref<10000x128xf32, #tpu.memory_space<hbm>> -> memref<624x128xf32, #tpu.memory_space<hbm>>
      %dma_start3A_91 = arith.constant 0 : i32
      %dma_start3A_92 = tpu.memref_slice %arg11[%mul3A_79, %dma_start3A_91] : memref<10000x128xf32, #tpu.memory_space<vmem_shared>> -> memref<624x128xf32, #tpu.memory_space<vmem_shared>>
      tpu.enqueue_dma source(%dma_start3A_92 : memref<624x128xf32, #tpu.memory_space<vmem_shared>>) target(%dma_start3A_90 : memref<624x128xf32, #tpu.memory_space<hbm>>) target_semaphore(%run_scoped3A_84 : memref<!tpu.dma_semaphore, #tpu.memory_space<semaphore_mem>>)
      %dma_wait3A_93 = arith.constant 0 : i32
      %dma_wait3A_94 = arith.constant 0 : i32
      %dma_wait3A_95 = tpu.memref_slice %arg5[%arg0, %dma_wait3A_93, %dma_wait3A_94] : memref<2x10000x128xf32, #tpu.memory_space<hbm>> -> memref<1x10000x128xf32, #tpu.memory_space<hbm>>
      %dma_wait3A_96 = tpu.memref_squeeze %dma_wait3A_95 : memref<1x10000x128xf32, #tpu.memory_space<hbm>> -> memref<10000x128xf32, #tpu.memory_space<hbm>>
      %dma_wait3A_97 = arith.constant 0 : i32
      %dma_wait3A_98 = tpu.memref_slice %dma_wait3A_96[%mul3A_81, %dma_wait3A_97] : memref<10000x128xf32, #tpu.memory_space<hbm>> -> memref<624x128xf32, #tpu.memory_space<hbm>>
      %dma_wait3A_99 = arith.constant 0 : i32
      %dma_wait3A_100 = tpu.memref_slice %arg11[%mul3A_79, %dma_wait3A_99] : memref<10000x128xf32, #tpu.memory_space<vmem_shared>> -> memref<624x128xf32, #tpu.memory_space<vmem_shared>>
      tpu.wait_dma2 semaphore(%run_scoped3A_84 : memref<!tpu.dma_semaphore, #tpu.memory_space<semaphore_mem>>) src(%dma_wait3A_100 : memref<624x128xf32, #tpu.memory_space<vmem_shared>>) dst(%dma_wait3A_98 : memref<624x128xf32, #tpu.memory_space<hbm>>)
      tpu.yield
    }) : () -> ()
    %eq3A = arith.constant 15 : i32
    %eq3A_82 = arith.cmpi eq, %arg1, %eq3A : i32
    %convert_element_type3A = arith.extui %eq3A_82 : i1 to i32
    %cond3A = arith.constant 0 : i32
    %cond3A_83 = arith.cmpi ne, %convert_element_type3A, %cond3A : i32
    scf.if %cond3A_83 {
      "tpu.region"() ({
        %run_scoped3A_84 = tpu.sem_alloc : memref<!tpu.dma_semaphore, #tpu.memory_space<semaphore_mem>>
        %dma_start3A_85 = arith.constant 0 : i32
        %dma_start3A_86 = arith.constant 0 : i32
        %dma_start3A_87 = tpu.memref_slice %arg5[%arg0, %dma_start3A_85, %dma_start3A_86] : memref<2x10000x128xf32, #tpu.memory_space<hbm>> -> memref<1x10000x128xf32, #tpu.memory_space<hbm>>
        %dma_start3A_88 = tpu.memref_squeeze %dma_start3A_87 : memref<1x10000x128xf32, #tpu.memory_space<hbm>> -> memref<10000x128xf32, #tpu.memory_space<hbm>>
        %dma_start3A_89 = arith.constant 9984 : i32
        %dma_start3A_90 = arith.constant 0 : i32
        %dma_start3A_91 = tpu.memref_slice %dma_start3A_88[%dma_start3A_89, %dma_start3A_90] : memref<10000x128xf32, #tpu.memory_space<hbm>> -> memref<16x128xf32, #tpu.memory_space<hbm>>
        %dma_start3A_92 = arith.constant 9984 : i32
        %dma_start3A_93 = arith.constant 0 : i32
        %dma_start3A_94 = tpu.memref_slice %arg11[%dma_start3A_92, %dma_start3A_93] : memref<10000x128xf32, #tpu.memory_space<vmem_shared>> -> memref<16x128xf32, #tpu.memory_space<vmem_shared>>
        tpu.enqueue_dma source(%dma_start3A_94 : memref<16x128xf32, #tpu.memory_space<vmem_shared>>) target(%dma_start3A_91 : memref<16x128xf32, #tpu.memory_space<hbm>>) target_semaphore(%run_scoped3A_84 : memref<!tpu.dma_semaphore, #tpu.memory_space<semaphore_mem>>)
        %dma_wait3A_95 = arith.constant 0 : i32
        %dma_wait3A_96 = arith.constant 0 : i32
        %dma_wait3A_97 = tpu.memref_slice %arg5[%arg0, %dma_wait3A_95, %dma_wait3A_96] : memref<2x10000x128xf32, #tpu.memory_space<hbm>> -> memref<1x10000x128xf32, #tpu.memory_space<hbm>>
        %dma_wait3A_98 = tpu.memref_squeeze %dma_wait3A_97 : memref<1x10000x128xf32, #tpu.memory_space<hbm>> -> memref<10000x128xf32, #tpu.memory_space<hbm>>
        %dma_wait3A_99 = arith.constant 9984 : i32
        %dma_wait3A_100 = arith.constant 0 : i32
        %dma_wait3A_101 = tpu.memref_slice %dma_wait3A_98[%dma_wait3A_99, %dma_wait3A_100] : memref<10000x128xf32, #tpu.memory_space<hbm>> -> memref<16x128xf32, #tpu.memory_space<hbm>>
        %dma_wait3A_102 = arith.constant 9984 : i32
        %dma_wait3A_103 = arith.constant 0 : i32
        %dma_wait3A_104 = tpu.memref_slice %arg11[%dma_wait3A_102, %dma_wait3A_103] : memref<10000x128xf32, #tpu.memory_space<vmem_shared>> -> memref<16x128xf32, #tpu.memory_space<vmem_shared>>
        tpu.wait_dma2 semaphore(%run_scoped3A_84 : memref<!tpu.dma_semaphore, #tpu.memory_space<semaphore_mem>>) src(%dma_wait3A_104 : memref<16x128xf32, #tpu.memory_space<vmem_shared>>) dst(%dma_wait3A_101 : memref<16x128xf32, #tpu.memory_space<hbm>>)
        tpu.yield
      }) : () -> ()
    } else {
    }
    return
  }
}

module attributes {stable_mosaic.version = 14 : i64} {
  func.func @_tc1_body(%arg0: memref<10000x128xf32, #tpu.memory_space<vmem>>, %arg1: memref<128x128xf32, #tpu.memory_space<vmem>>, %arg2: memref<2x10000x128xf32, #tpu.memory_space<vmem>>, %arg3: memref<10000x128xf32, #tpu.memory_space<vmem>>, %arg4: memref<10000x1xf32, #tpu.memory_space<vmem>>) attributes {dimension_semantics = [], scalar_prefetch = 0 : i64, scratch_operands = 0 : i64, tpu.core_type = #tpu.core_type<tc>} {
    %get3A = arith.constant 0 : index
    %get3A_0 = arith.constant 0 : index
    %get3A_1 = arith.constant 0 : index
    %get3A_2 = vector.load %arg2[%get3A, %get3A_0, %get3A_1] : memref<2x10000x128xf32, #tpu.memory_space<vmem>>, vector<1x10000x1xf32>
    %get3A_3 = vector.shape_cast %get3A_2 : vector<1x10000x1xf32> to vector<10000x1xf32>
    %add3A = arith.constant 1.000000e+00 : f32
    %add3A_4 = vector.broadcast %add3A : f32 to vector<10000x1xf32>
    %add3A_5 = arith.addf %add3A_4, %get3A_3 : vector<10000x1xf32>
    %get3A_6 = arith.constant 1 : index
    %get3A_7 = arith.constant 0 : index
    %get3A_8 = arith.constant 0 : index
    %get3A_9 = vector.load %arg2[%get3A_6, %get3A_7, %get3A_8] : memref<2x10000x128xf32, #tpu.memory_space<vmem>>, vector<1x10000x1xf32>
    %get3A_10 = vector.shape_cast %get3A_9 : vector<1x10000x1xf32> to vector<10000x1xf32>
    %add3A_11 = arith.addf %add3A_5, %get3A_10 : vector<10000x1xf32>
    %rsqrt3A = math.rsqrt %add3A_11 : vector<10000x1xf32>
    %get3A_12 = arith.constant 0 : index
    %get3A_13 = arith.constant 0 : index
    %get3A_14 = vector.load %arg0[%get3A_12, %get3A_13] : memref<10000x128xf32, #tpu.memory_space<vmem>>, vector<10000x128xf32>
    %get3A_15 = arith.constant 0 : index
    %get3A_16 = arith.constant 0 : index
    %get3A_17 = vector.load %arg1[%get3A_15, %get3A_16] : memref<128x128xf32, #tpu.memory_space<vmem>>, vector<128x128xf32>
    %dot_general3A = arith.constant dense<0.000000e+00> : vector<10000x128xf32>
    %dot_general3A_18 = tpu.matmul %get3A_14, %get3A_17, %dot_general3A {dimension_numbers = #tpu.dot_dimension_numbers<[1], [0], [0], [1], [0, 0, 1, 1], [], []>, transpose_lhs_hint = false} : vector<10000x128xf32>, vector<128x128xf32>, vector<10000x128xf32> -> vector<10000x128xf32>
    %mul3A = vector.broadcast %rsqrt3A : vector<10000x1xf32> to vector<10000x128xf32>
    %mul3A_19 = arith.mulf %dot_general3A_18, %mul3A : vector<10000x128xf32>
    %swap3A = arith.constant 0 : index
    %swap3A_20 = arith.constant 0 : index
    %swap3A_21 = vector.load %arg3[%swap3A, %swap3A_20] : memref<10000x128xf32, #tpu.memory_space<vmem>>, vector<10000x128xf32>
    tpu.vector_store %arg3[%swap3A, %swap3A_20], %mul3A_19 {strides = array<i32>} : memref<10000x128xf32, #tpu.memory_space<vmem>>, vector<10000x128xf32>,
    %swap3A_22 = arith.constant 0 : index
    %swap3A_23 = arith.constant 0 : index
    %swap3A_24 = vector.load %arg4[%swap3A_22, %swap3A_23] : memref<10000x1xf32, #tpu.memory_space<vmem>>, vector<10000x1xf32>
    tpu.vector_store %arg4[%swap3A_22, %swap3A_23], %rsqrt3A {strides = array<i32>} : memref<10000x1xf32, #tpu.memory_space<vmem>>, vector<10000x1xf32>,
    return
  }
}

module attributes {stable_mosaic.version = 14 : i64} {
  func.func @_tc2_body(%arg0: memref<2x10000x128xf32, #tpu.memory_space<vmem>>, %arg1: memref<10000x128xf32, #tpu.memory_space<vmem>>, %arg2: memref<10000x1xf32, #tpu.memory_space<vmem>>, %arg3: memref<128xf32, #tpu.memory_space<vmem>>, %arg4: memref<128x128xf32, #tpu.memory_space<vmem>>, %arg5: memref<10000x128xf32, #tpu.memory_space<vmem>>) attributes {dimension_semantics = [], scalar_prefetch = 0 : i64, scratch_operands = 0 : i64, tpu.core_type = #tpu.core_type<tc>} {
    %get3A = arith.constant 0 : index
    %get3A_0 = arith.constant 0 : index
    %get3A_1 = arith.constant 0 : index
    %get3A_2 = vector.load %arg0[%get3A, %get3A_0, %get3A_1] : memref<2x10000x128xf32, #tpu.memory_space<vmem>>, vector<1x10000x128xf32>
    %get3A_3 = vector.shape_cast %get3A_2 : vector<1x10000x128xf32> to vector<10000x128xf32>
    %get3A_4 = arith.constant 1 : index
    %get3A_5 = arith.constant 0 : index
    %get3A_6 = arith.constant 0 : index
    %get3A_7 = vector.load %arg0[%get3A_4, %get3A_5, %get3A_6] : memref<2x10000x128xf32, #tpu.memory_space<vmem>>, vector<1x10000x128xf32>
    %get3A_8 = vector.shape_cast %get3A_7 : vector<1x10000x128xf32> to vector<10000x128xf32>
    %add3A = arith.addf %get3A_3, %get3A_8 : vector<10000x128xf32>
    %get3A_9 = arith.constant 0 : index
    %get3A_10 = arith.constant 0 : index
    %get3A_11 = vector.load %arg1[%get3A_9, %get3A_10] : memref<10000x128xf32, #tpu.memory_space<vmem>>, vector<10000x128xf32>
    %add3A_12 = arith.addf %add3A, %get3A_11 : vector<10000x128xf32>
    %get3A_13 = arith.constant 0 : index
    %get3A_14 = arith.constant 0 : index
    %get3A_15 = vector.load %arg2[%get3A_13, %get3A_14] : memref<10000x1xf32, #tpu.memory_space<vmem>>, vector<10000x1xf32>
    %mul3A = vector.broadcast %get3A_15 : vector<10000x1xf32> to vector<10000x128xf32>
    %mul3A_16 = arith.mulf %mul3A, %add3A_12 : vector<10000x128xf32>
    %get3A_17 = arith.constant 0 : index
    %get3A_18 = vector.load %arg3[%get3A_17] : memref<128xf32, #tpu.memory_space<vmem>>, vector<128xf32>
    %broadcast_in_dim3A = vector.shape_cast %get3A_18 : vector<128xf32> to vector<1x128xf32>
    %add3A_19 = vector.broadcast %broadcast_in_dim3A : vector<1x128xf32> to vector<10000x128xf32>
    %add3A_20 = arith.addf %mul3A_16, %add3A_19 : vector<10000x128xf32>
    %max3A = arith.constant 0.000000e+00 : f32
    %max3A_21 = vector.broadcast %max3A : f32 to vector<10000x128xf32>
    %max3A_22 = arith.maximumf %add3A_20, %max3A_21 : vector<10000x128xf32>
    %get3A_23 = arith.constant 0 : index
    %get3A_24 = arith.constant 0 : index
    %get3A_25 = vector.load %arg4[%get3A_23, %get3A_24] : memref<128x128xf32, #tpu.memory_space<vmem>>, vector<128x128xf32>
    %dot_general3A = arith.constant dense<0.000000e+00> : vector<10000x128xf32>
    %dot_general3A_26 = tpu.matmul %max3A_22, %get3A_25, %dot_general3A {dimension_numbers = #tpu.dot_dimension_numbers<[1], [0], [0], [1], [0, 0, 1, 1], [], []>, transpose_lhs_hint = false} : vector<10000x128xf32>, vector<128x128xf32>, vector<10000x128xf32> -> vector<10000x128xf32>
    %get3A_27 = arith.constant 0 : index
    %get3A_28 = arith.constant 0 : index
    %get3A_29 = vector.load %arg2[%get3A_27, %get3A_28] : memref<10000x1xf32, #tpu.memory_space<vmem>>, vector<10000x1xf32>
    %mul3A_30 = vector.broadcast %get3A_29 : vector<10000x1xf32> to vector<10000x128xf32>
    %mul3A_31 = arith.mulf %dot_general3A_26, %mul3A_30 : vector<10000x128xf32>
    %swap3A = arith.constant 0 : index
    %swap3A_32 = arith.constant 0 : index
    %swap3A_33 = vector.load %arg5[%swap3A, %swap3A_32] : memref<10000x128xf32, #tpu.memory_space<vmem>>, vector<10000x128xf32>
    tpu.vector_store %arg5[%swap3A, %swap3A_32], %mul3A_31 {strides = array<i32>} : memref<10000x128xf32, #tpu.memory_space<vmem>>, vector<10000x128xf32>,
    return
  }
}

module attributes {stable_mosaic.version = 14 : i64} {
  func.func @_tc3_body(%arg0: memref<2x10000x128xf32, #tpu.memory_space<vmem>>, %arg1: memref<10000x128xf32, #tpu.memory_space<vmem>>, %arg2: memref<10000x1xf32, #tpu.memory_space<vmem>>, %arg3: memref<128xf32, #tpu.memory_space<vmem>>, %arg4: memref<128x1xf32, #tpu.memory_space<vmem>>, %arg5: memref<1xf32, #tpu.memory_space<vmem>>, %arg6: memref<10000x1xf32, #tpu.memory_space<vmem>>) attributes {dimension_semantics = [], scalar_prefetch = 0 : i64, scratch_operands = 0 : i64, tpu.core_type = #tpu.core_type<tc>} {
    %get3A = arith.constant 0 : index
    %get3A_0 = arith.constant 0 : index
    %get3A_1 = arith.constant 0 : index
    %get3A_2 = vector.load %arg0[%get3A, %get3A_0, %get3A_1] : memref<2x10000x128xf32, #tpu.memory_space<vmem>>, vector<1x10000x128xf32>
    %get3A_3 = vector.shape_cast %get3A_2 : vector<1x10000x128xf32> to vector<10000x128xf32>
    %get3A_4 = arith.constant 1 : index
    %get3A_5 = arith.constant 0 : index
    %get3A_6 = arith.constant 0 : index
    %get3A_7 = vector.load %arg0[%get3A_4, %get3A_5, %get3A_6] : memref<2x10000x128xf32, #tpu.memory_space<vmem>>, vector<1x10000x128xf32>
    %get3A_8 = vector.shape_cast %get3A_7 : vector<1x10000x128xf32> to vector<10000x128xf32>
    %add3A = arith.addf %get3A_3, %get3A_8 : vector<10000x128xf32>
    %get3A_9 = arith.constant 0 : index
    %get3A_10 = arith.constant 0 : index
    %get3A_11 = vector.load %arg1[%get3A_9, %get3A_10] : memref<10000x128xf32, #tpu.memory_space<vmem>>, vector<10000x128xf32>
    %add3A_12 = arith.addf %add3A, %get3A_11 : vector<10000x128xf32>
    %get3A_13 = arith.constant 0 : index
    %get3A_14 = arith.constant 0 : index
    %get3A_15 = vector.load %arg2[%get3A_13, %get3A_14] : memref<10000x1xf32, #tpu.memory_space<vmem>>, vector<10000x1xf32>
    %mul3A = vector.broadcast %get3A_15 : vector<10000x1xf32> to vector<10000x128xf32>
    %mul3A_16 = arith.mulf %mul3A, %add3A_12 : vector<10000x128xf32>
    %get3A_17 = arith.constant 0 : index
    %get3A_18 = vector.load %arg3[%get3A_17] : memref<128xf32, #tpu.memory_space<vmem>>, vector<128xf32>
    %broadcast_in_dim3A = vector.shape_cast %get3A_18 : vector<128xf32> to vector<1x128xf32>
    %add3A_19 = vector.broadcast %broadcast_in_dim3A : vector<1x128xf32> to vector<10000x128xf32>
    %add3A_20 = arith.addf %mul3A_16, %add3A_19 : vector<10000x128xf32>
    %max3A = arith.constant 0.000000e+00 : f32
    %max3A_21 = vector.broadcast %max3A : f32 to vector<10000x128xf32>
    %max3A_22 = arith.maximumf %add3A_20, %max3A_21 : vector<10000x128xf32>
    %get3A_23 = arith.constant 0 : index
    %get3A_24 = arith.constant 0 : index
    %get3A_25 = vector.load %arg4[%get3A_23, %get3A_24] : memref<128x1xf32, #tpu.memory_space<vmem>>, vector<128x1xf32>
    %dot_general3A = arith.constant dense<0.000000e+00> : vector<10000x1xf32>
    %dot_general3A_26 = tpu.matmul %max3A_22, %get3A_25, %dot_general3A {dimension_numbers = #tpu.dot_dimension_numbers<[1], [0], [0], [1], [0, 0, 1, 1], [], []>, transpose_lhs_hint = false} : vector<10000x128xf32>, vector<128x1xf32>, vector<10000x1xf32> -> vector<10000x1xf32>
    %get3A_27 = arith.constant 0 : index
    %get3A_28 = vector.load %arg5[%get3A_27] : memref<1xf32, #tpu.memory_space<vmem>>, vector<1xf32>
    %broadcast_in_dim3A_29 = vector.shape_cast %get3A_28 : vector<1xf32> to vector<1x1xf32>
    %add3A_30 = vector.broadcast %broadcast_in_dim3A_29 : vector<1x1xf32> to vector<10000x1xf32>
    %add3A_31 = arith.addf %dot_general3A_26, %add3A_30 : vector<10000x1xf32>
    %swap3A = arith.constant 0 : index
    %swap3A_32 = arith.constant 0 : index
    %swap3A_33 = vector.load %arg6[%swap3A, %swap3A_32] : memref<10000x1xf32, #tpu.memory_space<vmem>>, vector<10000x1xf32>
    tpu.vector_store %arg6[%swap3A, %swap3A_32], %add3A_31 {strides = array<i32>} : memref<10000x1xf32, #tpu.memory_space<vmem>>, vector<10000x1xf32>,
    return
  }
}

</mosaic_0001>

<sc_bundles>
// kernel: kernel.11.cloned.1.call-start
scs
__scs_entry_jumppad:
0x0: {  	(pc) =	sbr.rel $0x88, $3  }
0x1: {  	(tag) =	ssettag $0x0;
	lr =	simm.s32 $0x1  }
0x2: {  	[smem:$0x3F99] =	sst lr;
	_ =	strace $0xD0000000  }
0x3: {  	_ = 	snop  }
0x4: {  	_ = 	snop  }
0x5: {  	_ = 	snop  }
0x6: {  	_ = 	snop  }
0x7: {  	_ = 	snop  }
__scs_overlays_trampoline_lowered:
0x8: {  	[smem:$0x3FA8] =	sst s0  }
0x9: {  	[smem:$0x3FA9] =	sst s1  }
0xa: {  	[smem:$0x3FAA] =	sst s2  }
0xb: {  	[smem:$0x3FAB] =	sst s3  }
0xc: {  	[smem:$0x3FAC] =	sst s4  }
0xd: {  	[smem:$0x3FAD] =	sst s5  }
0xe: {  	[smem:$0x3FAE] =	sst s6  }
0xf: {  	[smem:$0x3FAF] =	sst s7  }
0x10: {  	[smem:$0x3FB0] =	sst s8  }
0x11: {  	[smem:$0x3FB1] =	sst s9;
	s0 =	simm.s32 @!p0 $0x0  }
0x12: {  	s1 =	sld [smem:$0x3F97];
	s0 =	simm.s32 @p0 $0x1  }
0x13: {  	[smem:$0x3FB2] =	sst s0;
	s0 =	simm.s32 @!p1 $0x0  }
0x14: {  	s2 =	sld [smem:$0x3F96];
	s0 =	simm.s32 @p1 $0x1  }
0x15: {  	[smem:$0x3FB3] =	sst s0;
	s0 =	simm.s32 @!p2 $0x0  }
0x16: {  	s3 =	sld [smem:$0x3FDB];
	s0 =	simm.s32 @p2 $0x1  }
0x17: {  	s4 =	simm.s32 $0x1BF5;
	[smem:$0x3FB5] =	sst s0  }
0x18: {  	s0 =	sld [smem:$0x3F98];
	_ =	swait.ge [sflag:s4], $0x0  }
0x19: {  	s7 =	sld [smem:$0x3F99]  }
0x1a: {  	s8 =	sadd.s32 $0xFFFFE003, lr  }
0x1b: {  	s9 =	sadd.s32 $0xFFFFFEF7, lr;
	s5 =	simm.s32 $0xFFFFFFFF;
	p2 =	slt.u32 s8, $0xFFFFF086  }
0x1c: {  	p1 =	slt.u32 s9, $0xF7A;
	s5 =	simm.s32 @!p2 $0x0  }
0x1d: {  	s5 =	simm.s32 @p1 $0x1;
	p0 =	seq.s32 s7, s2  }
0x1e: {  	s7 =	smul.u32 @!p0 $0xF7A, s2;
	p2 =	seq.s32 @!p0 s5, $0x0  }
0x1f: {  	s9 =	smul.u32 $0xF7A, s1;
	s8 =	simm.s32 @!p0 $0x1BF5;
	p2 =	por !p2, p0  }
0x20: {  	[sflag:s8] =	ssyncset.s32 @!p0 $0xFFFFF086;
	s6 =	sadd.s32 @!p0 s3, s7;
	s7 =	simm.s32 @!p0 $0x108  }
0x21: {  	s3 =	sadd.s32 s3, s9;
	s6 =	sadd.s32 @!p0 $0x88, s6;
	s7 =	simm.s32 @p2 $0x1082  }
0x22: {  	[simem:s7], [sflag:s8] =	dma.local @!p0 [hbm:s6], $0xF7A  }
0x23: {  	s9 =	sor.u32 $0xD0000000, s2;
	s6 =	simm.s32 $0x108;
	_ =	swait.ge @!p0 [sflag:s8], $0x0  }
0x24: {  	s3 =	sadd.s32 $0x88, s3;
	s6 =	simm.s32 @!p1 $0x1082;
	[sflag:s4] =	ssyncset.s32 $0xFFFFF086  }
0x25: {  	[simem:s6], [sflag:s4] =	dma.local [hbm:s3], $0xF7A  }
0x26: {  	[smem:$0x3F99] =	sst s1;
	(tag) =	ssettag s2;
	_ =	strace s9  }
0x27: {  	s1 =	sld [smem:$0x3FA9]  }
0x28: {  	s2 =	sld [smem:$0x3FAA]  }
0x29: {  	s4 =	sld [smem:$0x3FAC]  }
0x2a: {  	p0 =	seq.s32 s5, $0x0;
	s5 =	sld [smem:$0x3FAD]  }
0x2b: {  	s6 =	sld [smem:$0x3FAE]  }
0x2c: {  	s7 =	sld [smem:$0x3FAF]  }
0x2d: {  	s3 =	simm.s32 $0x108;
	s8 =	sld [smem:$0x3FB0]  }
0x2e: {  	s3 =	simm.s32 @!p0 $0x1082;
	s9 =	sld [smem:$0x3FB1]  }
0x2f: {  	lr =	sadd.s32 s0, s3;
	s0 =	sld [smem:$0x3FA8]  }
0x30: {  	s3 =	sld [smem:$0x3FAB]  }
0x31: {  	[smem:$0x3FB4] =	sst s10  }
0x32: {  	s10 =	sld [smem:$0x3FB2];
	_ =	sdelay $0x3  }
0x33: {  	p0 =	seq.s32 s10, $0x1;
	s10 =	sld [smem:$0x3FB4];
	_ =	sdelay $0x3  }
0x34: {  	[smem:$0x3FB4] =	sst s10  }
0x35: {  	s10 =	sld [smem:$0x3FB3];
	_ =	sdelay $0x3  }
0x36: {  	p1 =	seq.s32 s10, $0x1;
	s10 =	sld [smem:$0x3FB4];
	_ =	sdelay $0x3  }
0x37: {  	[smem:$0x3FB4] =	sst s10  }
0x38: {  	s10 =	sld [smem:$0x3FB5]  }
0x39: {  	_ = 	snop;
	(pc) =	sbr.ind lr, $3  }
0x3a: {  	_ = 	snop  }
0x3b: {  	_ = 	snop  }
0x3c: {  	p2 =	seq.s32 s10, $0x1;
	s10 =	sld [smem:$0x3FB4]  }
0x3d: {  	_ =	shalt  }
0x3e: {  	_ =	shalt  }
0x3f: {  	_ =	shalt  }
0x40: {  	_ =	shalt  }
0x41: {  	_ =	shalt  }
0x42: {  	_ =	shalt  }
0x43: {  	_ =	shalt  }
0x44: {  	_ =	shalt  }
0x45: {  	_ =	shalt  }
0x46: {  	_ =	shalt  }
0x47: {  	_ =	shalt  }
0x48: {  	_ =	shalt  }
0x49: {  	_ =	shalt  }
0x4a: {  	_ =	shalt  }
0x4b: {  	_ =	shalt  }
0x4c: {  	_ =	shalt  }
0x4d: {  	_ =	shalt  }
0x4e: {  	_ =	shalt  }
0x4f: {  	_ =	shalt  }
0x50: {  	_ =	shalt  }
0x51: {  	_ =	shalt  }
0x52: {  	_ =	shalt  }
0x53: {  	_ =	shalt  }
0x54: {  	_ =	shalt  }
0x55: {  	_ =	shalt  }
0x56: {  	_ =	shalt  }
0x57: {  	_ =	shalt  }
0x58: {  	_ =	shalt  }
0x59: {  	_ =	shalt  }
0x5a: {  	_ =	shalt  }
0x5b: {  	_ =	shalt  }
0x5c: {  	_ =	shalt  }
0x5d: {  	_ =	shalt  }
0x5e: {  	_ =	shalt  }
0x5f: {  	_ =	shalt  }
0x60: {  	_ =	shalt  }
0x61: {  	_ =	shalt  }
0x62: {  	_ =	shalt  }
0x63: {  	_ =	shalt  }
0x64: {  	_ =	shalt  }
0x65: {  	_ =	shalt  }
0x66: {  	_ =	shalt  }
0x67: {  	_ =	shalt  }
0x68: {  	_ =	shalt  }
0x69: {  	_ =	shalt  }
0x6a: {  	_ =	shalt  }
0x6b: {  	_ =	shalt  }
0x6c: {  	_ =	shalt  }
0x6d: {  	_ =	shalt  }
0x6e: {  	_ =	shalt  }
0x6f: {  	_ =	shalt  }
0x70: {  	_ =	shalt  }
0x71: {  	_ =	shalt  }
0x72: {  	_ =	shalt  }
0x73: {  	_ =	shalt  }
0x74: {  	_ =	shalt  }
0x75: {  	_ =	shalt  }
0x76: {  	_ =	shalt  }
0x77: {  	_ =	shalt  }
0x78: {  	_ =	shalt  }
0x79: {  	_ =	shalt  }
0x7a: {  	_ =	shalt  }
0x7b: {  	_ =	shalt  }
0x7c: {  	_ =	shalt  }
0x7d: {  	_ =	shalt  }
0x7e: {  	_ =	shalt  }
0x7f: {  	_ =	shalt  }
0x80: {  	_ =	shalt  }
0x81: {  	_ =	shalt  }
0x82: {  	_ =	shalt  }
0x83: {  	_ =	shalt  }
0x84: {  	_ =	shalt  }
0x85: {  	_ =	shalt  }
0x86: {  	_ =	shalt  }
0x87: {  	_ =	shalt  }
.Lfunc_end0:
.L_simem_size_0:
called_computation.1_lowered:
.L_overlay_start_0:
0x88: {  	s2 =	sld [smem:$0x3FD9]  }
0x89: {  	s3 =	sld [smem:$0x3FFE];
	_ =	sdelay $0x1  }
0x8a: {  	s1 =	srdreg.scid  }
0x8b: {  	s0 =	sand.u32 $0x1, s1  }
0x8c: {  	s16 =	sshll.u32 s0, $0xA;
	s2 =	sadd.s32 s3, s2  }
0x8d: {  	s2 =	sadd.s32 s2, s16  }
0x8e: {  	[smem:$0x3FC0] =	sst s2  }
0x8f: {  	_ = 	snop  }
0x90: {  	(tm) =	ssettm $0x1  }
0x91: {  	s17 =	sld [smem:$0x3FFB];
	_ =	sdelay $0x3  }
0x92: {  	_ =	strace s17  }
0x93: {  	s2 =	sld [smem:$0x3FFC];
	_ =	sdelay $0x3  }
0x94: {  	_ =	strace s2  }
0x95: {  	s2 =	sld [smem:$0x3FFD];
	_ =	sdelay $0x3  }
0x96: {  	_ =	strace s2  }
0x97: {  	_ =	strace $0x8FFFFFFF  }
0x98: {  	s18 =	sld [smem:$0x3FDB];
	_ =	sdelay $0x1  }
0x99: {  	s19 =	simm.s32 $_scs_section_size  }
0x9a: {  	s4 =	simm.s32 $_size__tile_overlayer_lowered;
	s5 =	simm.s32 $_tile_overlayer_lowered  }
0x9b: {  	s22 =	simm.s32 $0x1BFF;
	s21 =	sshll.u32 s5, $0x1;
	s2 =	sadd.s32 s19, s18  }
0x9c: {  	s6 =	simm.s32 $0x0;
	s20 =	sshll.u32 s4, $0x1;
	s4 =	sadd.s32 s21, s2  }
0x9d: {  	[timem:s6], [sflag:s22] =	dma.local [hbm:s4], s20  }
0x9e: {  	_ =	swait.ge [sflag:s22], s20  }
0x9f: {  	s3 =	ssub.s32 $0x0, s20;
	[sflag:s22] =	ssyncset.done $0x0  }
0xa0: {  	[sflag:s22] =	ssyncadd.s32 s3;
	_ =	sdelay $0x1  }
0xa1: {  	s23 =	simm.s32 $0x1B8B  }
0xa2: {  	_ =	swait.ge [sflag:s23], $0x1  }
0xa3: {  	[sflag:s23] =	ssyncset.done $0x0  }
0xa4: {  	s25 =	simm.s32 $0x1B8E;
	s24 =	sld [smem:$0x3FFE];
	[sflag:s23] =	ssyncadd.s32 $0xFFFFFFFF  }
0xa5: {  	s26 =	simm.s32 $execute0_lowered;
	[smem:$0x3FD2] =	sst s25  }
0xa6: {  	s4 =	sshll.u32 s26, $0x1;
	_ =	strace $0x80000049;
	[dreg:$0x1] =	wrdreg $0xFFFFFFFF  }
0xa7: {  	s28 =	simm.s32 $_size_execute0_lowered;
	s2 =	sadd.s32 s2, s4;
	[dreg:$0x0] =	wrdreg $0x0  }
0xa8: {  	s4 =	sshll.u32 s28, $0x1;
	[dreg:$0x2] =	wrdreg s2  }
0xa9: {  	[dreg:$0x3] =	wrdreg s4  }
0xaa: {  	[dreg:$0x4] =	wrdreg $0xC0  }
0xab: {  	_ =	task [dreg:s6], $0x5FFFF  }
0xac: {  	[dreg:$0x1] =	wrdreg $0xFFFFFFFF  }
0xad: {  	[dreg:$0x0] =	wrdreg $0x60  }
0xae: {  	[dreg:$0x2] =	wrdreg s24  }
0xaf: {  	[dreg:$0x3] =	wrdreg $0xC7800  }
0xb0: {  	[dreg:$0x4] =	wrdreg $0x9  }
0xb1: {  	_ =	task.clear_ibuf [dreg:s6], $0x5FFFF;
	_ =	strace $0x90000049  }
0xb2: {  	s29 =	simm.s32 $0x9;
	_ =	strace $0x8000004B  }
0xb3: {  	_ =	swait.ge [sflag:s29], $0x1  }
0xb4: {  	[sflag:s29] =	ssyncadd.s32 $0xFFFFFFFF  }
0xb5: {  	_ =	strace $0x9000004B  }
0xb6: {  	_ =	sfence  }
0xb7: {  	s30 =	sld [smem:$0x0];
	_ =	sdelay $0x2  }
0xb8: {  	s31 =	sshll.u32 s1, $0xD;
	s1 =	sshrl.u32 s1, $0x2  }
0xb9: {  	s3 =	sand.u32 $0x4000, s31;
	s1 =	sadd.s32 s1, s30  }
0xba: {  	s0 =	sor.u32 s3, s0;
	s1 =	sshll.u32 s1, $0x11  }
0xbb: {  	s0 =	sor.u32 s1, s0  }
0xbc: {  	s0 =	sadd.s32 $0x8F2B, s0  }
0xbd: {  	[sflag:s0] =	ssyncadd.remote.s32 $0x1  }
0xbe: {  	_ =	sfence.sel $0xFFFF  }
0xbf: {  	[dreg:$0x0] =	wrdreg $0xFFFFFFFF;
	(pc) =	sbr.abs _section_cstart, $3  }
0xc0: {  	[dreg:$0x1] =	wrdreg $0xFFFFFFFF  }
0xc1: {  	_ =	task.clear_ibuf [dreg:s6], $0x2FFFF;
	_ =	strace $0x9FFFFFFF  }
0xc2: {  	(tm) =	ssettm $0x7FFFFFFF  }
0xc3: {  	_ =	shalt  }
tec
execute0_lowered:
.L_overlay_start_1:
0x0: {  	(tag) =	ssettag $0x1  }
0x1: {  	s0 =	srdreg.scid  }
0x2: {  	s6 =	rddreg [dreg:$0x0];
	s12 =	simm.s32 $0x2780;
	s13 =	simm.s32 $0xB780  }
0x3: {  	s14 =	simm.s32 $0x4;
	s15 =	simm.s32 $0x1;
	s16 =	simm.s32 $0x50  }
0x4: {  	s17 =	simm.s32 $0x6780;
	s18 =	simm.s32 $0x8F80;
	s19 =	simm.s32 $0x2  }
0x5: {  	s20 =	simm.s32 $0x3;
	s21 =	simm.s32 $0x6480;
	s1 =	sand.u32 $0x1, s0  }
0x6: {  	s22 =	simm.s32 $0x26C0;
	s0 =	stileid.u32;
	s8 =	smul.u32 $0x27100, s1  }
0x7: {  	s28 =	simm.s32 $0x6580;
	s29 =	simm.s32 $0x0;
	s10 =	smul.u32 $0x4E000, s0  }
0x8: {  	s2 =	sshll.u32 s1, $0x4;
	s3 =	sshll.u32 s0, $0x7;
	s30 =	smul.u32 $0x4E200, s0  }
0x9: {  	s1 =	ssub.s32 $0x2, s1;
	s23 =	smul.u32 $0x2700, s0;
	p0 =	sne.s32 s0, $0xF  }
0xa: {  	s5 =	sor.u32 s0, s2;
	s7 =	sand.u32 $0x380, s3;
	s3 =	simm.s32 $0x0  }
0xb: {  	s25 =	sshrl.u32 s1, $0x1;
	s2 =	sshrl.u32 s5, $0x3;
	[smem:$0x7FF] =	sst s3  }
0xc: {  	s5 =	sshll.u32 s5, $0xB;
	s8 =	sadd.s32 s8, s6;
	s1 =	ssub.s32 s1, s25  }
0xd: {  	s26 =	sshrl.u32 s10, $0x2;
	s31 =	sshrl.u32 s30, $0x2;
	s4 =	smul.u32 $0x13C00, s2  }
0xe: {  	s2 =	rddreg [dreg:$0x1];
	_ =	strace $0x8000004A;
	s9 =	sadd.s32 s5, s6  }
0xf: {  	s24 =	sadd.s32 s26, s2;
	s25 =	sadd.s32 $0x138000, s2;
	s4 =	sor.u32 s7, s4  }
0x10: {  	s26 =	simm.s32 $0x6500;
	s24 =	sshrl.u32 s24, $0x3;
	s7 =	sshrl.u32 s4, $0x3  }
0x11: {  	s25 =	sshrl.u32 @!p0 s25, $0x3;
	s4 =	sadd.s32 $0x12600, s6;
	s7 =	sadd.s32 s7, s6  }
0x12: {  	s6 =	sadd.s32 $0x2600, s9;
	s5 =	sadd.s32 $0x60800, s7;
	s7 =	sadd.s32 $0x6A600, s8  }
0x13: {  	v0 =	vimm.f32 $0.0e+00;
	s9 =	sadd.s32 s31, s2;
	s8 =	smax.u32 s1, $0x1;
	s23 =	sadd.s32 s23, s7  }
.LBB2_1:
0x14: {  	s1 =	simm.s32 $0x80;
	s10 =	simm.s32 $0x400  }
0x15: {  	[tilespmem:s3], [sflag:$0x1] =	stream.strided.gather [hbm4b:s5+s1], $0x2780, s10, s1, $0x38;
	v63 =	vld [tilespmem:$0x0]  }
0x16: {  	s30 =	simm.s32 $0x3C0;
	s1 =	simm.s32 $0x70  }
0x17: {  	[tilespmem:s12], [sflag:$0x1] =	stream.linear.gather [hbm4b:s6+s3], $0x3E80, $0x38;
	v63 =	vld [tilespmem:$0x0]  }
.LBB2_2:
0x18: {  	p1 =	sne.s32 s30, $0x31C0;
	[tilespmem:s1+$0xB780] =	vst v0  }
0x19: {  	[tilespmem:s1+$0xB710] =	vst v0  }
0x1a: {  	[tilespmem:s1+$0xB720] =	vst v0  }
.Ltmp0:
0x1b: {  	[tilespmem:s1+$0xB730] =	vst v0;
	(pc) =	sbr.rel @p1 .LBB2_2-.Ltmp0, $4  }
0x1c: {  	[tilespmem:s1+$0xB740] =	vst v0  }
0x1d: {  	[tilespmem:s1+$0xB750] =	vst v0  }
0x1e: {  	[tilespmem:s1+$0xB760] =	vst v0  }
0x1f: {  	[tilespmem:s1+$0xB770] =	vst v0;
	s1 =	sshra.s32 s30, $0x2;
	s30 =	sadd.s32 $0x200, s30  }
0x20: {  	[tilespmem:s1+$0xB780] =	vst v0  }
0x21: {  	[tilespmem:s1+$0xB710] =	vst v0  }
0x22: {  	[tilespmem:s1+$0xB720] =	vst v0  }
0x23: {  	[tilespmem:s1+$0xB730] =	vst v0  }
0x24: {  	[tilespmem:s1+$0xB740] =	vst v0  }
0x25: {  	[tilespmem:s1+$0xB750] =	vst v0  }
0x26: {  	[tilespmem:s1+$0xB760] =	vst v0  }
0x27: {  	[tilespmem:s1+$0xB770] =	vst v0;
	s31 =	sadd.s32 $0x0, s9  }
0x28: {  	[spmem:s31] =	stream.linear.scatter [tilespmem:s13], [sflag:$0x4], $0xC80, $0x38;
	v63 =	vld [tilespmem:$0x0]  }
0x29: {  	s1 =	simm.s32 $0x3200;
	_ =	swait.ge [sflag:s14], $0xC80  }
.LBB2_4:
0x2a: {  	s30 =	sshra.s32 s1, $0x2;
	[sflag:s14] =	ssyncset.done $0x0;
	p1 =	sne.s32 s1, $0x4B000  }
.Ltmp1:
0x2b: {  	s30 =	sadd.s32 s30, s9;
	[sflag:s14] =	ssyncadd.s32 $0xFFFFF380;
	(pc) =	sbr.rel @p1 .LBB2_4-.Ltmp1, $3  }
0x2c: {  	[spmem:s30] =	stream.linear.scatter [tilespmem:s13], [sflag:$0x4], $0xC80, $0x38;
	v63 =	vld [tilespmem:$0x0]  }
0x2d: {  	s1 =	sadd.s32 $0x3200, s1;
	_ =	sdelay $0x1  }
0x2e: {  	_ =	swait.ge [sflag:s14], $0xC80  }
0x2f: {  	[sflag:s14] =	ssyncset.done $0x0  }
0x30: {  	[sflag:s14] =	ssyncadd.s32 $0xFFFFF380  }
0x31: {  	_ =	swait.ge [sflag:s15], $0x2780  }
0x32: {  	[sflag:s15] =	ssyncset.done $0x0  }
0x33: {  	[sflag:s15] =	ssyncadd.s32 $0xFFFFD880  }
0x34: {  	_ =	swait.ge [sflag:s15], $0x3E80  }
0x35: {  	[sflag:s15] =	ssyncset.done $0x0  }
0x36: {  	[sflag:s15] =	ssyncadd.s32 $0xFFFFC180  }
0x37: {  	s1 =	simm.s32 $0x0;
	[bflag:$0x0] =	sbarrier.arrive $0xFFFF  }
0x38: {  	[tilespmem:s17], [sflag:$0x2] =	stream.indirect.gather [hbm4b:s4+s16], $0x80, s1, s16, $0xb8;
	v63 =	vld [tilespmem:$0x0]  }
0x39: {  	_ = 	snop  }
0x3a: {  	[tilespmem:s18], [sflag:$0x3] =	stream.indirect.gather [hbm4b:s4+s16], $0x80, s16, s16, $0xb8;
	v63 =	vld [tilespmem:$0x0]  }
0x3b: {  	_ =	swait.ge [sflag:s19], $0x2800  }
0x3c: {  	[sflag:s19] =	ssyncset.done $0x0  }
0x3d: {  	s11 =	simm.s32 $0x2780;
	[sflag:s19] =	ssyncadd.s32 $0xFFFFD800  }
0x3e: {  	[spmem:s2] =	stream.indirect.scatter.add.f32 [tilespmem:s17], [sflag:$0x4], $0x80, s11, s16, $0xb8;
	v63 =	vld [tilespmem:$0x0]  }
0x3f: {  	_ =	swait.ge [sflag:s14], $0x2800  }
0x40: {  	[sflag:s14] =	ssyncset.done $0x0  }
0x41: {  	s10 =	simm.s32 $0xA0;
	[sflag:s14] =	ssyncadd.s32 $0xFFFFD800  }
0x42: {  	[tilespmem:s17], [sflag:$0x2] =	stream.indirect.gather [hbm4b:s4+s16], $0x80, s10, s16, $0xb8;
	v63 =	vld [tilespmem:$0x0]  }
0x43: {  	_ =	swait.ge [sflag:s20], $0x2800  }
0x44: {  	[sflag:s20] =	ssyncset.done $0x0  }
0x45: {  	s11 =	simm.s32 $0x2800;
	[sflag:s20] =	ssyncadd.s32 $0xFFFFD800  }
0x46: {  	[spmem:s2] =	stream.indirect.scatter.add.f32 [tilespmem:s18], [sflag:$0x4], $0x80, s11, s16, $0xb8;
	v63 =	vld [tilespmem:$0x0]  }
0x47: {  	_ =	swait.ge [sflag:s14], $0x2800  }
0x48: {  	s30 =	simm.s32 $0xF0;
	[sflag:s14] =	ssyncset.done $0x0  }
0x49: {  	s31 =	simm.s32 $0x400;
	s1 =	simm.s32 $0x190;
	[sflag:s14] =	ssyncadd.s32 $0xFFFFD800  }
.LBB2_6:
0x4a: {  	[tilespmem:s18], [sflag:$0x3] =	stream.indirect.gather [hbm4b:s4+s16], $0x80, s30, s16, $0xb8;
	v63 =	vld [tilespmem:$0x0]  }
0x4b: {  	s10 =	smov.u32 s31;
	s30 =	smov.u32 s1  }
0x4c: {  	p1 =	sne.s32 s31, $0xF000;
	s31 =	sadd.s32 $0x400, s31;
	_ =	swait.ge [sflag:s19], $0x2800  }
0x4d: {  	s10 =	sshra.s32 s10, $0x2;
	[sflag:s19] =	ssyncset.done $0x0  }
0x4e: {  	s11 =	sadd.s32 $0x2780, s10;
	[sflag:s19] =	ssyncadd.s32 $0xFFFFD800  }
0x4f: {  	[spmem:s2] =	stream.indirect.scatter.add.f32 [tilespmem:s17], [sflag:$0x4], $0x80, s11, s16, $0xb8;
	v63 =	vld [tilespmem:$0x0]  }
0x50: {  	_ =	swait.ge [sflag:s14], $0x2800  }
0x51: {  	[sflag:s14] =	ssyncset.done $0x0  }
0x52: {  	s11 =	sadd.s32 $0xFFFFFFB0, s1;
	[sflag:s14] =	ssyncadd.s32 $0xFFFFD800  }
0x53: {  	[tilespmem:s17], [sflag:$0x2] =	stream.indirect.gather [hbm4b:s4+s16], $0x80, s11, s16, $0xb8;
	v63 =	vld [tilespmem:$0x0]  }
0x54: {  	_ =	swait.ge [sflag:s20], $0x2800  }
0x55: {  	[sflag:s20] =	ssyncset.done $0x0  }
.Ltmp2:
0x56: {  	s10 =	sadd.s32 $0x2800, s10;
	[sflag:s20] =	ssyncadd.s32 $0xFFFFD800;
	(pc) =	sbr.rel @p1 .LBB2_6-.Ltmp2, $4  }
0x57: {  	[spmem:s2] =	stream.indirect.scatter.add.f32 [tilespmem:s18], [sflag:$0x4], $0x80, s10, s16, $0xb8;
	v63 =	vld [tilespmem:$0x0]  }
0x58: {  	_ =	swait.ge [sflag:s14], $0x2800  }
0x59: {  	[sflag:s14] =	ssyncset.done $0x0  }
0x5a: {  	s1 =	sadd.s32 $0xA0, s1;
	[sflag:s14] =	ssyncadd.s32 $0xFFFFD800  }
0x5b: {  	[tilespmem:s18], [sflag:$0x3] =	stream.indirect.gather [hbm4b:s4+s16], $0x80, s30, s16, $0xb8;
	v63 =	vld [tilespmem:$0x0]  }
0x5c: {  	_ =	swait.ge [sflag:s19], $0x2800  }
0x5d: {  	[sflag:s19] =	ssyncset.done $0x0  }
0x5e: {  	[sflag:s19] =	ssyncadd.s32 $0xFFFFD800  }
0x5f: {  	[spmem:s2] =	stream.indirect.scatter.add.f32 [tilespmem:s17], [sflag:$0x4], $0x80, s21, s16, $0xb8;
	v63 =	vld [tilespmem:$0x0]  }
0x60: {  	_ =	swait.ge [sflag:s14], $0x2800  }
0x61: {  	[sflag:s14] =	ssyncset.done $0x0  }
0x62: {  	[sflag:s14] =	ssyncadd.s32 $0xFFFFD800  }
0x63: {  	[tilespmem:s17], [sflag:$0x2] =	stream.indirect.gather [hbm4b:s4+s16], $0x80, s22, s16, $0xb8;
	v63 =	vld [tilespmem:$0x0]  }
0x64: {  	_ =	swait.ge [sflag:s20], $0x2800  }
0x65: {  	[sflag:s20] =	ssyncset.done $0x0  }
0x66: {  	[sflag:s20] =	ssyncadd.s32 $0xFFFFD800  }
0x67: {  	[spmem:s2] =	stream.indirect.scatter.add.f32 [tilespmem:s18], [sflag:$0x4], $0x80, s26, s16, $0xb8;
	v63 =	vld [tilespmem:$0x0]  }
0x68: {  	_ =	swait.ge [sflag:s14], $0x2800  }
0x69: {  	[sflag:s14] =	ssyncset.done $0x0  }
0x6a: {  	[sflag:s14] =	ssyncadd.s32 $0xFFFFD800  }
0x6b: {  	_ =	swait.ge [sflag:s19], $0x2800  }
0x6c: {  	[sflag:s19] =	ssyncset.done $0x0  }
0x6d: {  	[sflag:s19] =	ssyncadd.s32 $0xFFFFD800  }
0x6e: {  	[spmem:s2] =	stream.indirect.scatter.add.f32 [tilespmem:s17], [sflag:$0x4], $0x80, s28, s16, $0xb8;
	v63 =	vld [tilespmem:$0x0]  }
0x6f: {  	_ =	swait.ge [sflag:s14], $0x2800  }
0x70: {  	[sflag:s14] =	ssyncset.done $0x0  }
0x71: {  	s1 =	sshll.u32 s0, $0x6;
	[sflag:s14] =	ssyncadd.s32 $0xFFFFD800  }
0x72: {  	s1 =	sor.u32 $0x1C04, s1;
	[bflag:$0x0] =	sbarrier.arrive $0xFFFF  }
0x73: {  	[hbm:s23], [sflag:s1] =	dma.local [spmem:s24], $0x2700  }
0x74: {  	_ =	swait.ge [sflag:s14], $0x2700  }
0x75: {  	s29 =	sadd.s32 $0x1, s29;
	[sflag:s14] =	ssyncset.done $0x0  }
0x76: {  	s10 =	sadd.s32 @!p0 $0x27000, s7;
	p1 =	sne.s32 s29, s8;
	[sflag:s14] =	ssyncadd.s32 $0xFFFFD900  }
0x77: {  	[hbm:s10], [sflag:s1] =	dma.local @!p0 [spmem:s25], $0x100  }
.Ltmp3:
0x78: {  	_ = 	snop;
	(pc) =	sbr.rel @p1 .LBB2_1-.Ltmp3, $4  }
0x79: {  	s1 =	simm.s32 @!p0 $0x4  }
0x7a: {  	_ =	swait.ge @!p0 [sflag:s1], $0x100  }
0x7b: {  	[sflag:s1] =	ssyncset.done @!p0 $0x0  }
0x7c: {  	[sflag:s1] =	ssyncadd.s32 @!p0 $0xFFFFFF00  }
0x7d: {  	_ =	sfence.sel $0x180000  }
0x7e: {  	[bflag:$0x0] =	sbarrier.arrive $0xFFFF  }
0x7f: {  	_ =	strace $0x9000004A  }
0x80: {  	[bflag:$0x2] =	sbarrier.arrive $0xFFFF  }
0x81: {  	p0 =	sne.s32 s0, $0x0;
	s0 =	rddreg [dreg:$0x2]  }
0x82: {  	s0 =	sadd.s32 @!p0 $0x100000, s0  }
0x83: {  	[sflag:s0] =	ssyncadd.tile.s32 @!p0 $0x1;
	_ =	shalt  }
.Lfunc_end2:
_tile_overlayer_lowered:
.L_overlay_start_2:
0x84: {  	(tag) =	ssettag $0x2  }
0x85: {  	s0 =	rddreg [dreg:$0x0];
	s2 =	stileid.u32  }
0x86: {  	s1 =	rddreg [dreg:$0x1];
	p0 =	sne.s32 s2, $0x0  }
0x87: {  	s3 =	rddreg [dreg:$0x2];
	[bflag:$0x3] =	sbarrier.arrive $0xFFFF;
	s2 =	simm.s32 @!p0 $0x1C04  }
0x88: {  	[timem:s3], [sflag:s2] =	dma.local @!p0 [hbm:s0], s1  }
0x89: {  	s0 =	simm.s32 @!p0 $0x4  }
0x8a: {  	_ =	swait.ge @!p0 [sflag:s0], s1  }
0x8b: {  	s1 =	ssub.s32 @!p0 $0x0, s1;
	[sflag:s0] =	ssyncset.done @!p0 $0x0  }
0x8c: {  	[sflag:s0] =	ssyncadd.s32 @!p0 s1  }
0x8d: {  	[bflag:$0x3] =	sbarrier.arrive $0xFFFF  }
0x8e: {  	_ =	shalt  }

// kernel: kernel.14.cloned.1.call-start
scs
__scs_entry_jumppad:
0x0: {  	(pc) =	sbr.rel $0x88, $3  }
0x1: {  	(tag) =	ssettag $0x0;
	lr =	simm.s32 $0x1  }
0x2: {  	[smem:$0x3F99] =	sst lr;
	_ =	strace $0xD0000000  }
0x3: {  	_ = 	snop  }
0x4: {  	_ = 	snop  }
0x5: {  	_ = 	snop  }
0x6: {  	_ = 	snop  }
0x7: {  	_ = 	snop  }
__scs_overlays_trampoline_lowered:
0x8: {  	[smem:$0x3FA8] =	sst s0  }
0x9: {  	[smem:$0x3FA9] =	sst s1  }
0xa: {  	[smem:$0x3FAA] =	sst s2  }
0xb: {  	[smem:$0x3FAB] =	sst s3  }
0xc: {  	[smem:$0x3FAC] =	sst s4  }
0xd: {  	[smem:$0x3FAD] =	sst s5  }
0xe: {  	[smem:$0x3FAE] =	sst s6  }
0xf: {  	[smem:$0x3FAF] =	sst s7  }
0x10: {  	[smem:$0x3FB0] =	sst s8  }
0x11: {  	[smem:$0x3FB1] =	sst s9;
	s0 =	simm.s32 @!p0 $0x0  }
0x12: {  	s1 =	sld [smem:$0x3F97];
	s0 =	simm.s32 @p0 $0x1  }
0x13: {  	[smem:$0x3FB2] =	sst s0;
	s0 =	simm.s32 @!p1 $0x0  }
0x14: {  	s2 =	sld [smem:$0x3F96];
	s0 =	simm.s32 @p1 $0x1  }
0x15: {  	[smem:$0x3FB3] =	sst s0;
	s0 =	simm.s32 @!p2 $0x0  }
0x16: {  	s3 =	sld [smem:$0x3FDB];
	s0 =	simm.s32 @p2 $0x1  }
0x17: {  	s4 =	simm.s32 $0x1BF5;
	[smem:$0x3FB5] =	sst s0  }
0x18: {  	s0 =	sld [smem:$0x3F98];
	_ =	swait.ge [sflag:s4], $0x0  }
0x19: {  	s7 =	sld [smem:$0x3F99]  }
0x1a: {  	s8 =	sadd.s32 $0xFFFFE003, lr  }
0x1b: {  	s9 =	sadd.s32 $0xFFFFFEF7, lr;
	s5 =	simm.s32 $0xFFFFFFFF;
	p2 =	slt.u32 s8, $0xFFFFF086  }
0x1c: {  	p1 =	slt.u32 s9, $0xF7A;
	s5 =	simm.s32 @!p2 $0x0  }
0x1d: {  	s5 =	simm.s32 @p1 $0x1;
	p0 =	seq.s32 s7, s2  }
0x1e: {  	s7 =	smul.u32 @!p0 $0xF7A, s2;
	p2 =	seq.s32 @!p0 s5, $0x0  }
0x1f: {  	s9 =	smul.u32 $0xF7A, s1;
	s8 =	simm.s32 @!p0 $0x1BF5;
	p2 =	por !p2, p0  }
0x20: {  	[sflag:s8] =	ssyncset.s32 @!p0 $0xFFFFF086;
	s6 =	sadd.s32 @!p0 s3, s7;
	s7 =	simm.s32 @!p0 $0x108  }
0x21: {  	s3 =	sadd.s32 s3, s9;
	s6 =	sadd.s32 @!p0 $0x88, s6;
	s7 =	simm.s32 @p2 $0x1082  }
0x22: {  	[simem:s7], [sflag:s8] =	dma.local @!p0 [hbm:s6], $0xF7A  }
0x23: {  	s9 =	sor.u32 $0xD0000000, s2;
	s6 =	simm.s32 $0x108;
	_ =	swait.ge @!p0 [sflag:s8], $0x0  }
0x24: {  	s3 =	sadd.s32 $0x88, s3;
	s6 =	simm.s32 @!p1 $0x1082;
	[sflag:s4] =	ssyncset.s32 $0xFFFFF086  }
0x25: {  	[simem:s6], [sflag:s4] =	dma.local [hbm:s3], $0xF7A  }
0x26: {  	[smem:$0x3F99] =	sst s1;
	(tag) =	ssettag s2;
	_ =	strace s9  }
0x27: {  	s1 =	sld [smem:$0x3FA9]  }
0x28: {  	s2 =	sld [smem:$0x3FAA]  }
0x29: {  	s4 =	sld [smem:$0x3FAC]  }
0x2a: {  	p0 =	seq.s32 s5, $0x0;
	s5 =	sld [smem:$0x3FAD]  }
0x2b: {  	s6 =	sld [smem:$0x3FAE]  }
0x2c: {  	s7 =	sld [smem:$0x3FAF]  }
0x2d: {  	s3 =	simm.s32 $0x108;
	s8 =	sld [smem:$0x3FB0]  }
0x2e: {  	s3 =	simm.s32 @!p0 $0x1082;
	s9 =	sld [smem:$0x3FB1]  }
0x2f: {  	lr =	sadd.s32 s0, s3;
	s0 =	sld [smem:$0x3FA8]  }
0x30: {  	s3 =	sld [smem:$0x3FAB]  }
0x31: {  	[smem:$0x3FB4] =	sst s10  }
0x32: {  	s10 =	sld [smem:$0x3FB2];
	_ =	sdelay $0x3  }
0x33: {  	p0 =	seq.s32 s10, $0x1;
	s10 =	sld [smem:$0x3FB4];
	_ =	sdelay $0x3  }
0x34: {  	[smem:$0x3FB4] =	sst s10  }
0x35: {  	s10 =	sld [smem:$0x3FB3];
	_ =	sdelay $0x3  }
0x36: {  	p1 =	seq.s32 s10, $0x1;
	s10 =	sld [smem:$0x3FB4];
	_ =	sdelay $0x3  }
0x37: {  	[smem:$0x3FB4] =	sst s10  }
0x38: {  	s10 =	sld [smem:$0x3FB5]  }
0x39: {  	_ = 	snop;
	(pc) =	sbr.ind lr, $3  }
0x3a: {  	_ = 	snop  }
0x3b: {  	_ = 	snop  }
0x3c: {  	p2 =	seq.s32 s10, $0x1;
	s10 =	sld [smem:$0x3FB4]  }
0x3d: {  	_ =	shalt  }
0x3e: {  	_ =	shalt  }
0x3f: {  	_ =	shalt  }
0x40: {  	_ =	shalt  }
0x41: {  	_ =	shalt  }
0x42: {  	_ =	shalt  }
0x43: {  	_ =	shalt  }
0x44: {  	_ =	shalt  }
0x45: {  	_ =	shalt  }
0x46: {  	_ =	shalt  }
0x47: {  	_ =	shalt  }
0x48: {  	_ =	shalt  }
0x49: {  	_ =	shalt  }
0x4a: {  	_ =	shalt  }
0x4b: {  	_ =	shalt  }
0x4c: {  	_ =	shalt  }
0x4d: {  	_ =	shalt  }
0x4e: {  	_ =	shalt  }
0x4f: {  	_ =	shalt  }
0x50: {  	_ =	shalt  }
0x51: {  	_ =	shalt  }
0x52: {  	_ =	shalt  }
0x53: {  	_ =	shalt  }
0x54: {  	_ =	shalt  }
0x55: {  	_ =	shalt  }
0x56: {  	_ =	shalt  }
0x57: {  	_ =	shalt  }
0x58: {  	_ =	shalt  }
0x59: {  	_ =	shalt  }
0x5a: {  	_ =	shalt  }
0x5b: {  	_ =	shalt  }
0x5c: {  	_ =	shalt  }
0x5d: {  	_ =	shalt  }
0x5e: {  	_ =	shalt  }
0x5f: {  	_ =	shalt  }
0x60: {  	_ =	shalt  }
0x61: {  	_ =	shalt  }
0x62: {  	_ =	shalt  }
0x63: {  	_ =	shalt  }
0x64: {  	_ =	shalt  }
0x65: {  	_ =	shalt  }
0x66: {  	_ =	shalt  }
0x67: {  	_ =	shalt  }
0x68: {  	_ =	shalt  }
0x69: {  	_ =	shalt  }
0x6a: {  	_ =	shalt  }
0x6b: {  	_ =	shalt  }
0x6c: {  	_ =	shalt  }
0x6d: {  	_ =	shalt  }
0x6e: {  	_ =	shalt  }
0x6f: {  	_ =	shalt  }
0x70: {  	_ =	shalt  }
0x71: {  	_ =	shalt  }
0x72: {  	_ =	shalt  }
0x73: {  	_ =	shalt  }
0x74: {  	_ =	shalt  }
0x75: {  	_ =	shalt  }
0x76: {  	_ =	shalt  }
0x77: {  	_ =	shalt  }
0x78: {  	_ =	shalt  }
0x79: {  	_ =	shalt  }
0x7a: {  	_ =	shalt  }
0x7b: {  	_ =	shalt  }
0x7c: {  	_ =	shalt  }
0x7d: {  	_ =	shalt  }
0x7e: {  	_ =	shalt  }
0x7f: {  	_ =	shalt  }
0x80: {  	_ =	shalt  }
0x81: {  	_ =	shalt  }
0x82: {  	_ =	shalt  }
0x83: {  	_ =	shalt  }
0x84: {  	_ =	shalt  }
0x85: {  	_ =	shalt  }
0x86: {  	_ =	shalt  }
0x87: {  	_ =	shalt  }
.Lfunc_end0:
.L_simem_size_0:
called_computation.2_lowered:
.L_overlay_start_0:
0x88: {  	s2 =	sld [smem:$0x3FD9]  }
0x89: {  	s3 =	sld [smem:$0x3FFE];
	_ =	sdelay $0x1  }
0x8a: {  	s1 =	srdreg.scid  }
0x8b: {  	s0 =	sand.u32 $0x1, s1  }
0x8c: {  	s16 =	sshll.u32 s0, $0xA;
	s2 =	sadd.s32 s3, s2  }
0x8d: {  	s2 =	sadd.s32 s2, s16  }
0x8e: {  	[smem:$0x3FC0] =	sst s2  }
0x8f: {  	_ = 	snop  }
0x90: {  	(tm) =	ssettm $0x1  }
0x91: {  	s17 =	sld [smem:$0x3FFB];
	_ =	sdelay $0x3  }
0x92: {  	_ =	strace s17  }
0x93: {  	s2 =	sld [smem:$0x3FFC];
	_ =	sdelay $0x3  }
0x94: {  	_ =	strace s2  }
0x95: {  	s2 =	sld [smem:$0x3FFD];
	_ =	sdelay $0x3  }
0x96: {  	_ =	strace s2  }
0x97: {  	_ =	strace $0x8FFFFFFF  }
0x98: {  	s18 =	sld [smem:$0x3FDB];
	_ =	sdelay $0x1  }
0x99: {  	s19 =	simm.s32 $_scs_section_size  }
0x9a: {  	s4 =	simm.s32 $_size__tile_overlayer_lowered;
	s5 =	simm.s32 $_tile_overlayer_lowered  }
0x9b: {  	s22 =	simm.s32 $0x1BFF;
	s21 =	sshll.u32 s5, $0x1;
	s2 =	sadd.s32 s19, s18  }
0x9c: {  	s6 =	simm.s32 $0x0;
	s20 =	sshll.u32 s4, $0x1;
	s4 =	sadd.s32 s21, s2  }
0x9d: {  	[timem:s6], [sflag:s22] =	dma.local [hbm:s4], s20  }
0x9e: {  	_ =	swait.ge [sflag:s22], s20  }
0x9f: {  	s3 =	ssub.s32 $0x0, s20;
	[sflag:s22] =	ssyncset.done $0x0  }
0xa0: {  	[sflag:s22] =	ssyncadd.s32 s3;
	_ =	sdelay $0x1  }
0xa1: {  	s23 =	simm.s32 $0x1B8B  }
0xa2: {  	_ =	swait.ge [sflag:s23], $0x1  }
0xa3: {  	[sflag:s23] =	ssyncset.done $0x0  }
0xa4: {  	s25 =	simm.s32 $0x1B8E;
	s24 =	sld [smem:$0x3FFE];
	[sflag:s23] =	ssyncadd.s32 $0xFFFFFFFF  }
0xa5: {  	s26 =	simm.s32 $execute0_lowered;
	[smem:$0x3FD2] =	sst s25  }
0xa6: {  	s4 =	sshll.u32 s26, $0x1;
	_ =	strace $0x8000004C;
	[dreg:$0x1] =	wrdreg $0xFFFFFFFF  }
0xa7: {  	s28 =	simm.s32 $_size_execute0_lowered;
	s2 =	sadd.s32 s2, s4;
	[dreg:$0x0] =	wrdreg $0x0  }
0xa8: {  	s4 =	sshll.u32 s28, $0x1;
	[dreg:$0x2] =	wrdreg s2  }
0xa9: {  	[dreg:$0x3] =	wrdreg s4  }
0xaa: {  	[dreg:$0x4] =	wrdreg $0xC0  }
0xab: {  	_ =	task [dreg:s6], $0x5FFFF  }
0xac: {  	[dreg:$0x1] =	wrdreg $0xFFFFFFFF  }
0xad: {  	[dreg:$0x0] =	wrdreg $0x60  }
0xae: {  	[dreg:$0x2] =	wrdreg s24  }
0xaf: {  	[dreg:$0x3] =	wrdreg $0xC7800  }
0xb0: {  	[dreg:$0x4] =	wrdreg $0x9  }
0xb1: {  	_ =	task.clear_ibuf [dreg:s6], $0x5FFFF;
	_ =	strace $0x9000004C  }
0xb2: {  	s29 =	simm.s32 $0x9;
	_ =	strace $0x8000004E  }
0xb3: {  	_ =	swait.ge [sflag:s29], $0x1  }
0xb4: {  	[sflag:s29] =	ssyncadd.s32 $0xFFFFFFFF  }
0xb5: {  	_ =	strace $0x9000004E  }
0xb6: {  	_ =	sfence  }
0xb7: {  	s30 =	sld [smem:$0x0];
	_ =	sdelay $0x2  }
0xb8: {  	s31 =	sshll.u32 s1, $0xD;
	s1 =	sshrl.u32 s1, $0x2  }
0xb9: {  	s3 =	sand.u32 $0x4000, s31;
	s1 =	sadd.s32 s1, s30  }
0xba: {  	s0 =	sor.u32 s3, s0;
	s1 =	sshll.u32 s1, $0x11  }
0xbb: {  	s0 =	sor.u32 s1, s0  }
0xbc: {  	s0 =	sadd.s32 $0x8F2B, s0  }
0xbd: {  	[sflag:s0] =	ssyncadd.remote.s32 $0x1  }
0xbe: {  	_ =	sfence.sel $0xFFFF  }
0xbf: {  	[dreg:$0x0] =	wrdreg $0xFFFFFFFF;
	(pc) =	sbr.abs _section_cstart, $3  }
0xc0: {  	[dreg:$0x1] =	wrdreg $0xFFFFFFFF  }
0xc1: {  	_ =	task.clear_ibuf [dreg:s6], $0x2FFFF;
	_ =	strace $0x9FFFFFFF  }
0xc2: {  	(tm) =	ssettm $0x7FFFFFFF  }
0xc3: {  	_ =	shalt  }
tec
execute0_lowered:
.L_overlay_start_1:
0x0: {  	(tag) =	ssettag $0x1  }
0x1: {  	s0 =	srdreg.scid  }
0x2: {  	s6 =	rddreg [dreg:$0x0];
	s12 =	simm.s32 $0x2780;
	s13 =	simm.s32 $0xB780  }
0x3: {  	s14 =	simm.s32 $0x4;
	s15 =	simm.s32 $0x1;
	s16 =	simm.s32 $0x50  }
0x4: {  	s17 =	simm.s32 $0x6780;
	s18 =	simm.s32 $0x8F80;
	s19 =	simm.s32 $0x2  }
0x5: {  	s20 =	simm.s32 $0x3;
	s21 =	simm.s32 $0x6480;
	s1 =	sand.u32 $0x1, s0  }
0x6: {  	s22 =	simm.s32 $0x26C0;
	s0 =	stileid.u32;
	s8 =	smul.u32 $0x27100, s1  }
0x7: {  	s28 =	simm.s32 $0x6580;
	s29 =	simm.s32 $0x0;
	s10 =	smul.u32 $0x4E000, s0  }
0x8: {  	s2 =	sshll.u32 s1, $0x4;
	s3 =	sshll.u32 s0, $0x7;
	s30 =	smul.u32 $0x4E200, s0  }
0x9: {  	s1 =	ssub.s32 $0x2, s1;
	s23 =	smul.u32 $0x2700, s0;
	p0 =	sne.s32 s0, $0xF  }
0xa: {  	s5 =	sor.u32 s0, s2;
	s7 =	sand.u32 $0x380, s3;
	s3 =	simm.s32 $0x0  }
0xb: {  	s25 =	sshrl.u32 s1, $0x1;
	s2 =	sshrl.u32 s5, $0x3;
	[smem:$0x7FF] =	sst s3  }
0xc: {  	s5 =	sshll.u32 s5, $0xB;
	s8 =	sadd.s32 s8, s6;
	s1 =	ssub.s32 s1, s25  }
0xd: {  	s26 =	sshrl.u32 s10, $0x2;
	s31 =	sshrl.u32 s30, $0x2;
	s4 =	smul.u32 $0x13C00, s2  }
0xe: {  	s2 =	rddreg [dreg:$0x1];
	_ =	strace $0x8000004D;
	s9 =	sadd.s32 s5, s6  }
0xf: {  	s24 =	sadd.s32 s26, s2;
	s25 =	sadd.s32 $0x138000, s2;
	s4 =	sor.u32 s7, s4  }
0x10: {  	s26 =	simm.s32 $0x6500;
	s24 =	sshrl.u32 s24, $0x3;
	s7 =	sshrl.u32 s4, $0x3  }
0x11: {  	s25 =	sshrl.u32 @!p0 s25, $0x3;
	s4 =	sadd.s32 $0x12600, s6;
	s7 =	sadd.s32 s7, s6  }
0x12: {  	s6 =	sadd.s32 $0x2600, s9;
	s5 =	sadd.s32 $0x60800, s7;
	s7 =	sadd.s32 $0x6A600, s8  }
0x13: {  	v0 =	vimm.f32 $0.0e+00;
	s9 =	sadd.s32 s31, s2;
	s8 =	smax.u32 s1, $0x1;
	s23 =	sadd.s32 s23, s7  }
.LBB2_1:
0x14: {  	s1 =	simm.s32 $0x80;
	s10 =	simm.s32 $0x400  }
0x15: {  	[tilespmem:s3], [sflag:$0x1] =	stream.strided.gather [hbm4b:s5+s1], $0x2780, s10, s1, $0x38;
	v63 =	vld [tilespmem:$0x0]  }
0x16: {  	s30 =	simm.s32 $0x3C0;
	s1 =	simm.s32 $0x70  }
0x17: {  	[tilespmem:s12], [sflag:$0x1] =	stream.linear.gather [hbm4b:s6+s3], $0x3E80, $0x38;
	v63 =	vld [tilespmem:$0x0]  }
.LBB2_2:
0x18: {  	p1 =	sne.s32 s30, $0x31C0;
	[tilespmem:s1+$0xB780] =	vst v0  }
0x19: {  	[tilespmem:s1+$0xB710] =	vst v0  }
0x1a: {  	[tilespmem:s1+$0xB720] =	vst v0  }
.Ltmp0:
0x1b: {  	[tilespmem:s1+$0xB730] =	vst v0;
	(pc) =	sbr.rel @p1 .LBB2_2-.Ltmp0, $4  }
0x1c: {  	[tilespmem:s1+$0xB740] =	vst v0  }
0x1d: {  	[tilespmem:s1+$0xB750] =	vst v0  }
0x1e: {  	[tilespmem:s1+$0xB760] =	vst v0  }
0x1f: {  	[tilespmem:s1+$0xB770] =	vst v0;
	s1 =	sshra.s32 s30, $0x2;
	s30 =	sadd.s32 $0x200, s30  }
0x20: {  	[tilespmem:s1+$0xB780] =	vst v0  }
0x21: {  	[tilespmem:s1+$0xB710] =	vst v0  }
0x22: {  	[tilespmem:s1+$0xB720] =	vst v0  }
0x23: {  	[tilespmem:s1+$0xB730] =	vst v0  }
0x24: {  	[tilespmem:s1+$0xB740] =	vst v0  }
0x25: {  	[tilespmem:s1+$0xB750] =	vst v0  }
0x26: {  	[tilespmem:s1+$0xB760] =	vst v0  }
0x27: {  	[tilespmem:s1+$0xB770] =	vst v0;
	s31 =	sadd.s32 $0x0, s9  }
0x28: {  	[spmem:s31] =	stream.linear.scatter [tilespmem:s13], [sflag:$0x4], $0xC80, $0x38;
	v63 =	vld [tilespmem:$0x0]  }
0x29: {  	s1 =	simm.s32 $0x3200;
	_ =	swait.ge [sflag:s14], $0xC80  }
.LBB2_4:
0x2a: {  	s30 =	sshra.s32 s1, $0x2;
	[sflag:s14] =	ssyncset.done $0x0;
	p1 =	sne.s32 s1, $0x4B000  }
.Ltmp1:
0x2b: {  	s30 =	sadd.s32 s30, s9;
	[sflag:s14] =	ssyncadd.s32 $0xFFFFF380;
	(pc) =	sbr.rel @p1 .LBB2_4-.Ltmp1, $3  }
0x2c: {  	[spmem:s30] =	stream.linear.scatter [tilespmem:s13], [sflag:$0x4], $0xC80, $0x38;
	v63 =	vld [tilespmem:$0x0]  }
0x2d: {  	s1 =	sadd.s32 $0x3200, s1;
	_ =	sdelay $0x1  }
0x2e: {  	_ =	swait.ge [sflag:s14], $0xC80  }
0x2f: {  	[sflag:s14] =	ssyncset.done $0x0  }
0x30: {  	[sflag:s14] =	ssyncadd.s32 $0xFFFFF380  }
0x31: {  	_ =	swait.ge [sflag:s15], $0x2780  }
0x32: {  	[sflag:s15] =	ssyncset.done $0x0  }
0x33: {  	[sflag:s15] =	ssyncadd.s32 $0xFFFFD880  }
0x34: {  	_ =	swait.ge [sflag:s15], $0x3E80  }
0x35: {  	[sflag:s15] =	ssyncset.done $0x0  }
0x36: {  	[sflag:s15] =	ssyncadd.s32 $0xFFFFC180  }
0x37: {  	s1 =	simm.s32 $0x0;
	[bflag:$0x0] =	sbarrier.arrive $0xFFFF  }
0x38: {  	[tilespmem:s17], [sflag:$0x2] =	stream.indirect.gather [hbm4b:s4+s16], $0x80, s1, s16, $0xb8;
	v63 =	vld [tilespmem:$0x0]  }
0x39: {  	_ = 	snop  }
0x3a: {  	[tilespmem:s18], [sflag:$0x3] =	stream.indirect.gather [hbm4b:s4+s16], $0x80, s16, s16, $0xb8;
	v63 =	vld [tilespmem:$0x0]  }
0x3b: {  	_ =	swait.ge [sflag:s19], $0x2800  }
0x3c: {  	[sflag:s19] =	ssyncset.done $0x0  }
0x3d: {  	s11 =	simm.s32 $0x2780;
	[sflag:s19] =	ssyncadd.s32 $0xFFFFD800  }
0x3e: {  	[spmem:s2] =	stream.indirect.scatter.add.f32 [tilespmem:s17], [sflag:$0x4], $0x80, s11, s16, $0xb8;
	v63 =	vld [tilespmem:$0x0]  }
0x3f: {  	_ =	swait.ge [sflag:s14], $0x2800  }
0x40: {  	[sflag:s14] =	ssyncset.done $0x0  }
0x41: {  	s10 =	simm.s32 $0xA0;
	[sflag:s14] =	ssyncadd.s32 $0xFFFFD800  }
0x42: {  	[tilespmem:s17], [sflag:$0x2] =	stream.indirect.gather [hbm4b:s4+s16], $0x80, s10, s16, $0xb8;
	v63 =	vld [tilespmem:$0x0]  }
0x43: {  	_ =	swait.ge [sflag:s20], $0x2800  }
0x44: {  	[sflag:s20] =	ssyncset.done $0x0  }
0x45: {  	s11 =	simm.s32 $0x2800;
	[sflag:s20] =	ssyncadd.s32 $0xFFFFD800  }
0x46: {  	[spmem:s2] =	stream.indirect.scatter.add.f32 [tilespmem:s18], [sflag:$0x4], $0x80, s11, s16, $0xb8;
	v63 =	vld [tilespmem:$0x0]  }
0x47: {  	_ =	swait.ge [sflag:s14], $0x2800  }
0x48: {  	s30 =	simm.s32 $0xF0;
	[sflag:s14] =	ssyncset.done $0x0  }
0x49: {  	s31 =	simm.s32 $0x400;
	s1 =	simm.s32 $0x190;
	[sflag:s14] =	ssyncadd.s32 $0xFFFFD800  }
.LBB2_6:
0x4a: {  	[tilespmem:s18], [sflag:$0x3] =	stream.indirect.gather [hbm4b:s4+s16], $0x80, s30, s16, $0xb8;
	v63 =	vld [tilespmem:$0x0]  }
0x4b: {  	s10 =	smov.u32 s31;
	s30 =	smov.u32 s1  }
0x4c: {  	p1 =	sne.s32 s31, $0xF000;
	s31 =	sadd.s32 $0x400, s31;
	_ =	swait.ge [sflag:s19], $0x2800  }
0x4d: {  	s10 =	sshra.s32 s10, $0x2;
	[sflag:s19] =	ssyncset.done $0x0  }
0x4e: {  	s11 =	sadd.s32 $0x2780, s10;
	[sflag:s19] =	ssyncadd.s32 $0xFFFFD800  }
0x4f: {  	[spmem:s2] =	stream.indirect.scatter.add.f32 [tilespmem:s17], [sflag:$0x4], $0x80, s11, s16, $0xb8;
	v63 =	vld [tilespmem:$0x0]  }
0x50: {  	_ =	swait.ge [sflag:s14], $0x2800  }
0x51: {  	[sflag:s14] =	ssyncset.done $0x0  }
0x52: {  	s11 =	sadd.s32 $0xFFFFFFB0, s1;
	[sflag:s14] =	ssyncadd.s32 $0xFFFFD800  }
0x53: {  	[tilespmem:s17], [sflag:$0x2] =	stream.indirect.gather [hbm4b:s4+s16], $0x80, s11, s16, $0xb8;
	v63 =	vld [tilespmem:$0x0]  }
0x54: {  	_ =	swait.ge [sflag:s20], $0x2800  }
0x55: {  	[sflag:s20] =	ssyncset.done $0x0  }
.Ltmp2:
0x56: {  	s10 =	sadd.s32 $0x2800, s10;
	[sflag:s20] =	ssyncadd.s32 $0xFFFFD800;
	(pc) =	sbr.rel @p1 .LBB2_6-.Ltmp2, $4  }
0x57: {  	[spmem:s2] =	stream.indirect.scatter.add.f32 [tilespmem:s18], [sflag:$0x4], $0x80, s10, s16, $0xb8;
	v63 =	vld [tilespmem:$0x0]  }
0x58: {  	_ =	swait.ge [sflag:s14], $0x2800  }
0x59: {  	[sflag:s14] =	ssyncset.done $0x0  }
0x5a: {  	s1 =	sadd.s32 $0xA0, s1;
	[sflag:s14] =	ssyncadd.s32 $0xFFFFD800  }
0x5b: {  	[tilespmem:s18], [sflag:$0x3] =	stream.indirect.gather [hbm4b:s4+s16], $0x80, s30, s16, $0xb8;
	v63 =	vld [tilespmem:$0x0]  }
0x5c: {  	_ =	swait.ge [sflag:s19], $0x2800  }
0x5d: {  	[sflag:s19] =	ssyncset.done $0x0  }
0x5e: {  	[sflag:s19] =	ssyncadd.s32 $0xFFFFD800  }
0x5f: {  	[spmem:s2] =	stream.indirect.scatter.add.f32 [tilespmem:s17], [sflag:$0x4], $0x80, s21, s16, $0xb8;
	v63 =	vld [tilespmem:$0x0]  }
0x60: {  	_ =	swait.ge [sflag:s14], $0x2800  }
0x61: {  	[sflag:s14] =	ssyncset.done $0x0  }
0x62: {  	[sflag:s14] =	ssyncadd.s32 $0xFFFFD800  }
0x63: {  	[tilespmem:s17], [sflag:$0x2] =	stream.indirect.gather [hbm4b:s4+s16], $0x80, s22, s16, $0xb8;
	v63 =	vld [tilespmem:$0x0]  }
0x64: {  	_ =	swait.ge [sflag:s20], $0x2800  }
0x65: {  	[sflag:s20] =	ssyncset.done $0x0  }
0x66: {  	[sflag:s20] =	ssyncadd.s32 $0xFFFFD800  }
0x67: {  	[spmem:s2] =	stream.indirect.scatter.add.f32 [tilespmem:s18], [sflag:$0x4], $0x80, s26, s16, $0xb8;
	v63 =	vld [tilespmem:$0x0]  }
0x68: {  	_ =	swait.ge [sflag:s14], $0x2800  }
0x69: {  	[sflag:s14] =	ssyncset.done $0x0  }
0x6a: {  	[sflag:s14] =	ssyncadd.s32 $0xFFFFD800  }
0x6b: {  	_ =	swait.ge [sflag:s19], $0x2800  }
0x6c: {  	[sflag:s19] =	ssyncset.done $0x0  }
0x6d: {  	[sflag:s19] =	ssyncadd.s32 $0xFFFFD800  }
0x6e: {  	[spmem:s2] =	stream.indirect.scatter.add.f32 [tilespmem:s17], [sflag:$0x4], $0x80, s28, s16, $0xb8;
	v63 =	vld [tilespmem:$0x0]  }
0x6f: {  	_ =	swait.ge [sflag:s14], $0x2800  }
0x70: {  	[sflag:s14] =	ssyncset.done $0x0  }
0x71: {  	s1 =	sshll.u32 s0, $0x6;
	[sflag:s14] =	ssyncadd.s32 $0xFFFFD800  }
0x72: {  	s1 =	sor.u32 $0x1C04, s1;
	[bflag:$0x0] =	sbarrier.arrive $0xFFFF  }
0x73: {  	[hbm:s23], [sflag:s1] =	dma.local [spmem:s24], $0x2700  }
0x74: {  	_ =	swait.ge [sflag:s14], $0x2700  }
0x75: {  	s29 =	sadd.s32 $0x1, s29;
	[sflag:s14] =	ssyncset.done $0x0  }
0x76: {  	s10 =	sadd.s32 @!p0 $0x27000, s7;
	p1 =	sne.s32 s29, s8;
	[sflag:s14] =	ssyncadd.s32 $0xFFFFD900  }
0x77: {  	[hbm:s10], [sflag:s1] =	dma.local @!p0 [spmem:s25], $0x100  }
.Ltmp3:
0x78: {  	_ = 	snop;
	(pc) =	sbr.rel @p1 .LBB2_1-.Ltmp3, $4  }
0x79: {  	s1 =	simm.s32 @!p0 $0x4  }
0x7a: {  	_ =	swait.ge @!p0 [sflag:s1], $0x100  }
0x7b: {  	[sflag:s1] =	ssyncset.done @!p0 $0x0  }
0x7c: {  	[sflag:s1] =	ssyncadd.s32 @!p0 $0xFFFFFF00  }
0x7d: {  	_ =	sfence.sel $0x180000  }
0x7e: {  	[bflag:$0x0] =	sbarrier.arrive $0xFFFF  }
0x7f: {  	_ =	strace $0x9000004D  }
0x80: {  	[bflag:$0x2] =	sbarrier.arrive $0xFFFF  }
0x81: {  	p0 =	sne.s32 s0, $0x0;
	s0 =	rddreg [dreg:$0x2]  }
0x82: {  	s0 =	sadd.s32 @!p0 $0x100000, s0  }
0x83: {  	[sflag:s0] =	ssyncadd.tile.s32 @!p0 $0x1;
	_ =	shalt  }
.Lfunc_end2:
_tile_overlayer_lowered:
.L_overlay_start_2:
0x84: {  	(tag) =	ssettag $0x2  }
0x85: {  	s0 =	rddreg [dreg:$0x0];
	s2 =	stileid.u32  }
0x86: {  	s1 =	rddreg [dreg:$0x1];
	p0 =	sne.s32 s2, $0x0  }
0x87: {  	s3 =	rddreg [dreg:$0x2];
	[bflag:$0x3] =	sbarrier.arrive $0xFFFF;
	s2 =	simm.s32 @!p0 $0x1C04  }
0x88: {  	[timem:s3], [sflag:s2] =	dma.local @!p0 [hbm:s0], s1  }
0x89: {  	s0 =	simm.s32 @!p0 $0x4  }
0x8a: {  	_ =	swait.ge @!p0 [sflag:s0], s1  }
0x8b: {  	s1 =	ssub.s32 @!p0 $0x0, s1;
	[sflag:s0] =	ssyncset.done @!p0 $0x0  }
0x8c: {  	[sflag:s0] =	ssyncadd.s32 @!p0 s1  }
0x8d: {  	[bflag:$0x3] =	sbarrier.arrive $0xFFFF  }
0x8e: {  	_ =	shalt  }

// kernel: kernel.8.cloned.1.call-start
scs
__scs_entry_jumppad:
0x0: {  	(pc) =	sbr.rel $0x88, $3  }
0x1: {  	(tag) =	ssettag $0x0;
	lr =	simm.s32 $0x1  }
0x2: {  	[smem:$0x3F99] =	sst lr;
	_ =	strace $0xD0000000  }
0x3: {  	_ = 	snop  }
0x4: {  	_ = 	snop  }
0x5: {  	_ = 	snop  }
0x6: {  	_ = 	snop  }
0x7: {  	_ = 	snop  }
__scs_overlays_trampoline_lowered:
0x8: {  	[smem:$0x3FA8] =	sst s0  }
0x9: {  	[smem:$0x3FA9] =	sst s1  }
0xa: {  	[smem:$0x3FAA] =	sst s2  }
0xb: {  	[smem:$0x3FAB] =	sst s3  }
0xc: {  	[smem:$0x3FAC] =	sst s4  }
0xd: {  	[smem:$0x3FAD] =	sst s5  }
0xe: {  	[smem:$0x3FAE] =	sst s6  }
0xf: {  	[smem:$0x3FAF] =	sst s7  }
0x10: {  	[smem:$0x3FB0] =	sst s8  }
0x11: {  	[smem:$0x3FB1] =	sst s9;
	s0 =	simm.s32 @!p0 $0x0  }
0x12: {  	s1 =	sld [smem:$0x3F97];
	s0 =	simm.s32 @p0 $0x1  }
0x13: {  	[smem:$0x3FB2] =	sst s0;
	s0 =	simm.s32 @!p1 $0x0  }
0x14: {  	s2 =	sld [smem:$0x3F96];
	s0 =	simm.s32 @p1 $0x1  }
0x15: {  	[smem:$0x3FB3] =	sst s0;
	s0 =	simm.s32 @!p2 $0x0  }
0x16: {  	s3 =	sld [smem:$0x3FDB];
	s0 =	simm.s32 @p2 $0x1  }
0x17: {  	s4 =	simm.s32 $0x1BF5;
	[smem:$0x3FB5] =	sst s0  }
0x18: {  	s0 =	sld [smem:$0x3F98];
	_ =	swait.ge [sflag:s4], $0x0  }
0x19: {  	s7 =	sld [smem:$0x3F99]  }
0x1a: {  	s8 =	sadd.s32 $0xFFFFE003, lr  }
0x1b: {  	s9 =	sadd.s32 $0xFFFFFEF7, lr;
	s5 =	simm.s32 $0xFFFFFFFF;
	p2 =	slt.u32 s8, $0xFFFFF086  }
0x1c: {  	p1 =	slt.u32 s9, $0xF7A;
	s5 =	simm.s32 @!p2 $0x0  }
0x1d: {  	s5 =	simm.s32 @p1 $0x1;
	p0 =	seq.s32 s7, s2  }
0x1e: {  	s7 =	smul.u32 @!p0 $0xF7A, s2;
	p2 =	seq.s32 @!p0 s5, $0x0  }
0x1f: {  	s9 =	smul.u32 $0xF7A, s1;
	s8 =	simm.s32 @!p0 $0x1BF5;
	p2 =	por !p2, p0  }
0x20: {  	[sflag:s8] =	ssyncset.s32 @!p0 $0xFFFFF086;
	s6 =	sadd.s32 @!p0 s3, s7;
	s7 =	simm.s32 @!p0 $0x108  }
0x21: {  	s3 =	sadd.s32 s3, s9;
	s6 =	sadd.s32 @!p0 $0x88, s6;
	s7 =	simm.s32 @p2 $0x1082  }
0x22: {  	[simem:s7], [sflag:s8] =	dma.local @!p0 [hbm:s6], $0xF7A  }
0x23: {  	s9 =	sor.u32 $0xD0000000, s2;
	s6 =	simm.s32 $0x108;
	_ =	swait.ge @!p0 [sflag:s8], $0x0  }
0x24: {  	s3 =	sadd.s32 $0x88, s3;
	s6 =	simm.s32 @!p1 $0x1082;
	[sflag:s4] =	ssyncset.s32 $0xFFFFF086  }
0x25: {  	[simem:s6], [sflag:s4] =	dma.local [hbm:s3], $0xF7A  }
0x26: {  	[smem:$0x3F99] =	sst s1;
	(tag) =	ssettag s2;
	_ =	strace s9  }
0x27: {  	s1 =	sld [smem:$0x3FA9]  }
0x28: {  	s2 =	sld [smem:$0x3FAA]  }
0x29: {  	s4 =	sld [smem:$0x3FAC]  }
0x2a: {  	p0 =	seq.s32 s5, $0x0;
	s5 =	sld [smem:$0x3FAD]  }
0x2b: {  	s6 =	sld [smem:$0x3FAE]  }
0x2c: {  	s7 =	sld [smem:$0x3FAF]  }
0x2d: {  	s3 =	simm.s32 $0x108;
	s8 =	sld [smem:$0x3FB0]  }
0x2e: {  	s3 =	simm.s32 @!p0 $0x1082;
	s9 =	sld [smem:$0x3FB1]  }
0x2f: {  	lr =	sadd.s32 s0, s3;
	s0 =	sld [smem:$0x3FA8]  }
0x30: {  	s3 =	sld [smem:$0x3FAB]  }
0x31: {  	[smem:$0x3FB4] =	sst s10  }
0x32: {  	s10 =	sld [smem:$0x3FB2];
	_ =	sdelay $0x3  }
0x33: {  	p0 =	seq.s32 s10, $0x1;
	s10 =	sld [smem:$0x3FB4];
	_ =	sdelay $0x3  }
0x34: {  	[smem:$0x3FB4] =	sst s10  }
0x35: {  	s10 =	sld [smem:$0x3FB3];
	_ =	sdelay $0x3  }
0x36: {  	p1 =	seq.s32 s10, $0x1;
	s10 =	sld [smem:$0x3FB4];
	_ =	sdelay $0x3  }
0x37: {  	[smem:$0x3FB4] =	sst s10  }
0x38: {  	s10 =	sld [smem:$0x3FB5]  }
0x39: {  	_ = 	snop;
	(pc) =	sbr.ind lr, $3  }
0x3a: {  	_ = 	snop  }
0x3b: {  	_ = 	snop  }
0x3c: {  	p2 =	seq.s32 s10, $0x1;
	s10 =	sld [smem:$0x3FB4]  }
0x3d: {  	_ =	shalt  }
0x3e: {  	_ =	shalt  }
0x3f: {  	_ =	shalt  }
0x40: {  	_ =	shalt  }
0x41: {  	_ =	shalt  }
0x42: {  	_ =	shalt  }
0x43: {  	_ =	shalt  }
0x44: {  	_ =	shalt  }
0x45: {  	_ =	shalt  }
0x46: {  	_ =	shalt  }
0x47: {  	_ =	shalt  }
0x48: {  	_ =	shalt  }
0x49: {  	_ =	shalt  }
0x4a: {  	_ =	shalt  }
0x4b: {  	_ =	shalt  }
0x4c: {  	_ =	shalt  }
0x4d: {  	_ =	shalt  }
0x4e: {  	_ =	shalt  }
0x4f: {  	_ =	shalt  }
0x50: {  	_ =	shalt  }
0x51: {  	_ =	shalt  }
0x52: {  	_ =	shalt  }
0x53: {  	_ =	shalt  }
0x54: {  	_ =	shalt  }
0x55: {  	_ =	shalt  }
0x56: {  	_ =	shalt  }
0x57: {  	_ =	shalt  }
0x58: {  	_ =	shalt  }
0x59: {  	_ =	shalt  }
0x5a: {  	_ =	shalt  }
0x5b: {  	_ =	shalt  }
0x5c: {  	_ =	shalt  }
0x5d: {  	_ =	shalt  }
0x5e: {  	_ =	shalt  }
0x5f: {  	_ =	shalt  }
0x60: {  	_ =	shalt  }
0x61: {  	_ =	shalt  }
0x62: {  	_ =	shalt  }
0x63: {  	_ =	shalt  }
0x64: {  	_ =	shalt  }
0x65: {  	_ =	shalt  }
0x66: {  	_ =	shalt  }
0x67: {  	_ =	shalt  }
0x68: {  	_ =	shalt  }
0x69: {  	_ =	shalt  }
0x6a: {  	_ =	shalt  }
0x6b: {  	_ =	shalt  }
0x6c: {  	_ =	shalt  }
0x6d: {  	_ =	shalt  }
0x6e: {  	_ =	shalt  }
0x6f: {  	_ =	shalt  }
0x70: {  	_ =	shalt  }
0x71: {  	_ =	shalt  }
0x72: {  	_ =	shalt  }
0x73: {  	_ =	shalt  }
0x74: {  	_ =	shalt  }
0x75: {  	_ =	shalt  }
0x76: {  	_ =	shalt  }
0x77: {  	_ =	shalt  }
0x78: {  	_ =	shalt  }
0x79: {  	_ =	shalt  }
0x7a: {  	_ =	shalt  }
0x7b: {  	_ =	shalt  }
0x7c: {  	_ =	shalt  }
0x7d: {  	_ =	shalt  }
0x7e: {  	_ =	shalt  }
0x7f: {  	_ =	shalt  }
0x80: {  	_ =	shalt  }
0x81: {  	_ =	shalt  }
0x82: {  	_ =	shalt  }
0x83: {  	_ =	shalt  }
0x84: {  	_ =	shalt  }
0x85: {  	_ =	shalt  }
0x86: {  	_ =	shalt  }
0x87: {  	_ =	shalt  }
.Lfunc_end0:
.L_simem_size_0:
called_computation_lowered:
.L_overlay_start_0:
0x88: {  	s2 =	sld [smem:$0x3FD9]  }
0x89: {  	s3 =	sld [smem:$0x3FFE];
	_ =	sdelay $0x1  }
0x8a: {  	s1 =	srdreg.scid  }
0x8b: {  	s0 =	sand.u32 $0x1, s1  }
0x8c: {  	s16 =	sshll.u32 s0, $0xA;
	s2 =	sadd.s32 s3, s2  }
0x8d: {  	s2 =	sadd.s32 s2, s16  }
0x8e: {  	[smem:$0x3FC0] =	sst s2  }
0x8f: {  	_ = 	snop  }
0x90: {  	(tm) =	ssettm $0x1  }
0x91: {  	s17 =	sld [smem:$0x3FFB];
	_ =	sdelay $0x3  }
0x92: {  	_ =	strace s17  }
0x93: {  	s2 =	sld [smem:$0x3FFC];
	_ =	sdelay $0x3  }
0x94: {  	_ =	strace s2  }
0x95: {  	s2 =	sld [smem:$0x3FFD];
	_ =	sdelay $0x3  }
0x96: {  	_ =	strace s2  }
0x97: {  	_ =	strace $0x8FFFFFFF  }
0x98: {  	s18 =	sld [smem:$0x3FDB];
	_ =	sdelay $0x1  }
0x99: {  	s19 =	simm.s32 $_scs_section_size  }
0x9a: {  	s4 =	simm.s32 $_size__tile_overlayer_lowered;
	s5 =	simm.s32 $_tile_overlayer_lowered  }
0x9b: {  	s22 =	simm.s32 $0x1BFF;
	s21 =	sshll.u32 s5, $0x1;
	s2 =	sadd.s32 s19, s18  }
0x9c: {  	s6 =	simm.s32 $0x0;
	s20 =	sshll.u32 s4, $0x1;
	s4 =	sadd.s32 s21, s2  }
0x9d: {  	[timem:s6], [sflag:s22] =	dma.local [hbm:s4], s20  }
0x9e: {  	_ =	swait.ge [sflag:s22], s20  }
0x9f: {  	s3 =	ssub.s32 $0x0, s20;
	[sflag:s22] =	ssyncset.done $0x0  }
0xa0: {  	[sflag:s22] =	ssyncadd.s32 s3;
	_ =	sdelay $0x1  }
0xa1: {  	s23 =	simm.s32 $0x1B8B  }
0xa2: {  	_ =	swait.ge [sflag:s23], $0x1  }
0xa3: {  	[sflag:s23] =	ssyncset.done $0x0  }
0xa4: {  	s25 =	simm.s32 $0x1B8E;
	s24 =	sld [smem:$0x3FFE];
	[sflag:s23] =	ssyncadd.s32 $0xFFFFFFFF  }
0xa5: {  	s26 =	simm.s32 $execute0_lowered;
	[smem:$0x3FD2] =	sst s25  }
0xa6: {  	s4 =	sshll.u32 s26, $0x1;
	_ =	strace $0x80000046;
	[dreg:$0x1] =	wrdreg $0xFFFFFFFF  }
0xa7: {  	s28 =	simm.s32 $_size_execute0_lowered;
	s2 =	sadd.s32 s2, s4;
	[dreg:$0x0] =	wrdreg $0x0  }
0xa8: {  	s4 =	sshll.u32 s28, $0x1;
	[dreg:$0x2] =	wrdreg s2  }
0xa9: {  	[dreg:$0x3] =	wrdreg s4  }
0xaa: {  	[dreg:$0x4] =	wrdreg $0xC0  }
0xab: {  	_ =	task [dreg:s6], $0x5FFFF  }
0xac: {  	[dreg:$0x1] =	wrdreg $0xFFFFFFFF  }
0xad: {  	[dreg:$0x0] =	wrdreg $0x60  }
0xae: {  	[dreg:$0x2] =	wrdreg s24  }
0xaf: {  	[dreg:$0x3] =	wrdreg $0xA8000  }
0xb0: {  	[dreg:$0x4] =	wrdreg $0x9  }
0xb1: {  	_ =	task.clear_ibuf [dreg:s6], $0x5FFFF;
	_ =	strace $0x90000046  }
0xb2: {  	s29 =	simm.s32 $0x9;
	_ =	strace $0x80000048  }
0xb3: {  	_ =	swait.ge [sflag:s29], $0x1  }
0xb4: {  	[sflag:s29] =	ssyncadd.s32 $0xFFFFFFFF  }
0xb5: {  	_ =	strace $0x90000048  }
0xb6: {  	_ =	sfence  }
0xb7: {  	s30 =	sld [smem:$0x0];
	_ =	sdelay $0x2  }
0xb8: {  	s31 =	sshll.u32 s1, $0xD;
	s1 =	sshrl.u32 s1, $0x2  }
0xb9: {  	s3 =	sand.u32 $0x4000, s31;
	s1 =	sadd.s32 s1, s30  }
0xba: {  	s0 =	sor.u32 s3, s0;
	s1 =	sshll.u32 s1, $0x11  }
0xbb: {  	s0 =	sor.u32 s1, s0  }
0xbc: {  	s0 =	sadd.s32 $0x8F2B, s0  }
0xbd: {  	[sflag:s0] =	ssyncadd.remote.s32 $0x1  }
0xbe: {  	_ =	sfence.sel $0xFFFF  }
0xbf: {  	[dreg:$0x0] =	wrdreg $0xFFFFFFFF;
	(pc) =	sbr.abs _section_cstart, $3  }
0xc0: {  	[dreg:$0x1] =	wrdreg $0xFFFFFFFF  }
0xc1: {  	_ =	task.clear_ibuf [dreg:s6], $0x2FFFF;
	_ =	strace $0x9FFFFFFF  }
0xc2: {  	(tm) =	ssettm $0x7FFFFFFF  }
0xc3: {  	_ =	shalt  }
tec
execute0_lowered:
.L_overlay_start_1:
0x0: {  	(tag) =	ssettag $0x1  }
0x1: {  	s4 =	rddreg [dreg:$0x0]  }
0x2: {  	s1 =	rddreg [dreg:$0x1]  }
0x3: {  	s0 =	rddreg [dreg:$0x2];
	s3 =	simm.s32 $0x0;
	s2 =	srdreg.scid  }
0x4: {  	s12 =	simm.s32 $0x2800;
	s13 =	simm.s32 $0x6800;
	s14 =	simm.s32 $0x2  }
0x5: {  	s15 =	simm.s32 $0x1;
	s16 =	simm.s32 $0x50;
	s17 =	simm.s32 $0x2880  }
0x6: {  	s18 =	simm.s32 $0x2900;
	s19 =	simm.s32 $0x2980;
	s20 =	simm.s32 $0x2A00  }
0x7: {  	s24 =	simm.s32 $0x0;
	[smem:$0x7FF] =	sst s3;
	s5 =	sand.u32 $0x1, s2  }
0x8: {  	s2 =	stileid.u32;
	s23 =	sadd.s32 $0x138000, s1;
	s6 =	smul.u32 $0x27100, s5  }
0x9: {  	_ =	strace $0x80000047;
	s7 =	sshll.u32 s2, $0xB;
	s9 =	smul.u32 $0x4E000, s2  }
0xa: {  	s28 =	ssub.s32 $0x2, s5;
	s5 =	sshll.u32 s5, $0xF;
	s30 =	smul.u32 $0x4E200, s2  }
0xb: {  	s21 =	smul.u32 $0x2700, s2;
	p0 =	sne.s32 s2, $0xF;
	s7 =	sadd.s32 s7, s4  }
0xc: {  	s8 =	sshrl.u32 s28, $0x1;
	s23 =	sshrl.u32 @!p0 s23, $0x3;
	s6 =	sadd.s32 s6, s4  }
0xd: {  	s8 =	ssub.s32 s28, s8;
	s29 =	sadd.s32 s5, s7;
	s31 =	sshrl.u32 s9, $0x2  }
0xe: {  	s7 =	sshrl.u32 s30, $0x2;
	s4 =	sadd.s32 $0x2600, s29;
	s5 =	sadd.s32 $0x12600, s6  }
0xf: {  	s22 =	sadd.s32 s31, s1;
	s6 =	smax.u32 s8, $0x1;
	s7 =	sadd.s32 s7, s1  }
0x10: {  	s8 =	sadd.s32 $0x3E80, s7;
	s9 =	sadd.s32 $0x7D00, s7;
	s10 =	sadd.s32 $0xBB80, s7  }
0x11: {  	v0 =	vimm.f32 $1.000000000e+00;
	v1 =	vimm.f32 $0.0e+00;
	s11 =	sadd.s32 $0xFA00, s7;
	s21 =	sadd.s32 s21, s5;
	s22 =	sshrl.u32 s22, $0x3  }
.LBB2_1:
0x12: {  	[tilespmem:s12], [sflag:$0x1] =	stream.linear.gather [hbm4b:s4+s3], $0x3E80, $0x38;
	[tilespmem:$0x1E080] =	vst v63  }
0x13: {  	s25 =	simm.s32 $0x70;
	s26 =	simm.s32 $0x3C0  }
.LBB2_2:
0x14: {  	p1 =	sne.s32 s26, $0x9FC0;
	[tilespmem:s25+$0x0] =	vst v0  }
0x15: {  	[tilespmem:s25+$0xFFFFFF90] =	vst v0  }
0x16: {  	[tilespmem:s25+$0xFFFFFFA0] =	vst v0  }
.Ltmp0:
0x17: {  	[tilespmem:s25+$0xFFFFFFB0] =	vst v0;
	(pc) =	sbr.rel @p1 .LBB2_2-.Ltmp0, $4  }
0x18: {  	[tilespmem:s25+$0xFFFFFFC0] =	vst v0  }
0x19: {  	[tilespmem:s25+$0xFFFFFFD0] =	vst v0  }
0x1a: {  	[tilespmem:s25+$0xFFFFFFE0] =	vst v0  }
0x1b: {  	[tilespmem:s25+$0xFFFFFFF0] =	vst v0;
	s25 =	sshra.s32 s26, $0x2;
	s26 =	sadd.s32 $0x200, s26  }
0x1c: {  	[tilespmem:s25+$0x0] =	vst v0  }
0x1d: {  	[tilespmem:s25+$0xFFFFFF90] =	vst v0  }
0x1e: {  	[tilespmem:s25+$0xFFFFFFA0] =	vst v0  }
0x1f: {  	[tilespmem:s25+$0xFFFFFFB0] =	vst v0  }
0x20: {  	[tilespmem:s25+$0xFFFFFFC0] =	vst v0  }
0x21: {  	[tilespmem:s25+$0xFFFFFFD0] =	vst v0  }
0x22: {  	[tilespmem:s25+$0xFFFFFFE0] =	vst v0  }
0x23: {  	[tilespmem:s25+$0xFFFFFFF0] =	vst v0;
	s25 =	simm.s32 $0x70;
	s26 =	simm.s32 $0x3C0  }
.LBB2_4:
0x24: {  	p1 =	sne.s32 s26, $0xF9C0;
	[tilespmem:s25+$0x6800] =	vst v1  }
0x25: {  	[tilespmem:s25+$0x6790] =	vst v1  }
0x26: {  	[tilespmem:s25+$0x67A0] =	vst v1  }
.Ltmp1:
0x27: {  	[tilespmem:s25+$0x67B0] =	vst v1;
	(pc) =	sbr.rel @p1 .LBB2_4-.Ltmp1, $4  }
0x28: {  	[tilespmem:s25+$0x67C0] =	vst v1  }
0x29: {  	[tilespmem:s25+$0x67D0] =	vst v1  }
0x2a: {  	[tilespmem:s25+$0x67E0] =	vst v1  }
0x2b: {  	[tilespmem:s25+$0x67F0] =	vst v1;
	s25 =	sshra.s32 s26, $0x2;
	s26 =	sadd.s32 $0x200, s26  }
0x2c: {  	[tilespmem:s25+$0x6800] =	vst v1  }
0x2d: {  	[tilespmem:s25+$0x6790] =	vst v1  }
0x2e: {  	[tilespmem:s25+$0x67A0] =	vst v1  }
0x2f: {  	[tilespmem:s25+$0x67B0] =	vst v1  }
0x30: {  	[tilespmem:s25+$0x67C0] =	vst v1  }
0x31: {  	[tilespmem:s25+$0x67D0] =	vst v1  }
0x32: {  	[tilespmem:s25+$0x67E0] =	vst v1  }
0x33: {  	[tilespmem:s25+$0x67F0] =	vst v1  }
0x34: {  	[spmem:s7] =	stream.linear.scatter [tilespmem:s13], [sflag:$0x2], $0x3E80, $0x38;
	[tilespmem:$0x1E080] =	vst v63  }
0x35: {  	_ =	swait.ge [sflag:s14], $0x3E80  }
0x36: {  	[sflag:s14] =	ssyncset.done $0x0  }
0x37: {  	[sflag:s14] =	ssyncadd.s32 $0xFFFFC180  }
0x38: {  	[spmem:s8] =	stream.linear.scatter [tilespmem:s13], [sflag:$0x2], $0x3E80, $0x38;
	[tilespmem:$0x1E080] =	vst v63  }
0x39: {  	_ =	swait.ge [sflag:s14], $0x3E80  }
0x3a: {  	[sflag:s14] =	ssyncset.done $0x0  }
0x3b: {  	[sflag:s14] =	ssyncadd.s32 $0xFFFFC180  }
0x3c: {  	[spmem:s9] =	stream.linear.scatter [tilespmem:s13], [sflag:$0x2], $0x3E80, $0x38;
	[tilespmem:$0x1E080] =	vst v63  }
0x3d: {  	_ =	swait.ge [sflag:s14], $0x3E80  }
0x3e: {  	[sflag:s14] =	ssyncset.done $0x0  }
0x3f: {  	[sflag:s14] =	ssyncadd.s32 $0xFFFFC180  }
0x40: {  	[spmem:s10] =	stream.linear.scatter [tilespmem:s13], [sflag:$0x2], $0x3E80, $0x38;
	[tilespmem:$0x1E080] =	vst v63  }
0x41: {  	_ =	swait.ge [sflag:s14], $0x3E80  }
0x42: {  	[sflag:s14] =	ssyncset.done $0x0  }
0x43: {  	[sflag:s14] =	ssyncadd.s32 $0xFFFFC180  }
0x44: {  	[spmem:s11] =	stream.linear.scatter [tilespmem:s13], [sflag:$0x2], $0x3E80, $0x38;
	[tilespmem:$0x1E080] =	vst v63  }
0x45: {  	_ =	swait.ge [sflag:s14], $0x3E80  }
0x46: {  	[sflag:s14] =	ssyncset.done $0x0  }
0x47: {  	[sflag:s14] =	ssyncadd.s32 $0xFFFFC180  }
0x48: {  	_ =	swait.ge [sflag:s15], $0x3E80  }
0x49: {  	[sflag:s15] =	ssyncset.done $0x0  }
0x4a: {  	[sflag:s15] =	ssyncadd.s32 $0xFFFFC180  }
0x4b: {  	[bflag:$0x0] =	sbarrier.arrive $0xFFFF  }
0x4c: {  	[spmem:s1] =	stream.indirect.scatter.add.f32 [tilespmem:s3], [sflag:$0x1], $0x80, s12, s16, $0xb8;
	[tilespmem:$0x1E080] =	vst v63  }
0x4d: {  	_ = 	snop  }
0x4e: {  	[spmem:s1] =	stream.indirect.scatter.add.f32 [tilespmem:s3], [sflag:$0x1], $0x80, s17, s16, $0xb8;
	[tilespmem:$0x1E080] =	vst v63  }
0x4f: {  	_ = 	snop  }
0x50: {  	[spmem:s1] =	stream.indirect.scatter.add.f32 [tilespmem:s3], [sflag:$0x1], $0x80, s18, s16, $0xb8;
	[tilespmem:$0x1E080] =	vst v63  }
0x51: {  	_ = 	snop  }
0x52: {  	[spmem:s1] =	stream.indirect.scatter.add.f32 [tilespmem:s3], [sflag:$0x1], $0x80, s19, s16, $0xb8;
	[tilespmem:$0x1E080] =	vst v63  }
0x53: {  	_ = 	snop  }
0x54: {  	[spmem:s1] =	stream.indirect.scatter.add.f32 [tilespmem:s3], [sflag:$0x1], $0x80, s20, s16, $0xb8;
	[tilespmem:$0x1E080] =	vst v63  }
0x55: {  	s31 =	simm.s32 $0x2A80  }
0x56: {  	[spmem:s1] =	stream.indirect.scatter.add.f32 [tilespmem:s3], [sflag:$0x1], $0x80, s31, s16, $0xb8;
	[tilespmem:$0x1E080] =	vst v63  }
0x57: {  	s25 =	simm.s32 $0xC00;
	_ =	swait.ge [sflag:s15], $0x2800  }
.LBB2_6:
0x58: {  	s26 =	sshra.s32 s25, $0x2;
	[sflag:s15] =	ssyncset.done $0x0;
	p1 =	sne.s32 s25, $0xF800  }
.Ltmp2:
0x59: {  	s26 =	sadd.s32 $0x2800, s26;
	[sflag:s15] =	ssyncadd.s32 $0xFFFFD800;
	(pc) =	sbr.rel @p1 .LBB2_6-.Ltmp2, $3  }
0x5a: {  	[spmem:s1] =	stream.indirect.scatter.add.f32 [tilespmem:s3], [sflag:$0x1], $0x80, s26, s16, $0xb8;
	[tilespmem:$0x1E080] =	vst v63  }
0x5b: {  	s25 =	sadd.s32 $0x200, s25;
	_ =	sdelay $0x1  }
0x5c: {  	_ =	swait.ge [sflag:s15], $0x2800  }
0x5d: {  	[sflag:s15] =	ssyncset.done $0x0  }
0x5e: {  	[sflag:s15] =	ssyncadd.s32 $0xFFFFD800  }
0x5f: {  	_ =	swait.ge [sflag:s15], $0x2800  }
0x60: {  	[sflag:s15] =	ssyncset.done $0x0  }
0x61: {  	[sflag:s15] =	ssyncadd.s32 $0xFFFFD800  }
0x62: {  	_ =	swait.ge [sflag:s15], $0x2800  }
0x63: {  	[sflag:s15] =	ssyncset.done $0x0  }
0x64: {  	[sflag:s15] =	ssyncadd.s32 $0xFFFFD800  }
0x65: {  	_ =	swait.ge [sflag:s15], $0x2800  }
0x66: {  	[sflag:s15] =	ssyncset.done $0x0  }
0x67: {  	[sflag:s15] =	ssyncadd.s32 $0xFFFFD800  }
0x68: {  	_ =	swait.ge [sflag:s15], $0x2800  }
0x69: {  	[sflag:s15] =	ssyncset.done $0x0  }
0x6a: {  	[sflag:s15] =	ssyncadd.s32 $0xFFFFD800  }
0x6b: {  	_ =	swait.ge [sflag:s15], $0x2800  }
0x6c: {  	[sflag:s15] =	ssyncset.done $0x0  }
0x6d: {  	s25 =	sshll.u32 s2, $0x6;
	[sflag:s15] =	ssyncadd.s32 $0xFFFFD800  }
0x6e: {  	s25 =	sor.u32 $0x1C02, s25;
	[bflag:$0x0] =	sbarrier.arrive $0xFFFF  }
0x6f: {  	[hbm:s21], [sflag:s25] =	dma.local [spmem:s22], $0x2700  }
0x70: {  	_ =	swait.ge [sflag:s14], $0x2700  }
0x71: {  	s24 =	sadd.s32 $0x1, s24;
	[sflag:s14] =	ssyncset.done $0x0  }
0x72: {  	s26 =	sadd.s32 @!p0 $0x27000, s5;
	p1 =	sne.s32 s24, s6;
	[sflag:s14] =	ssyncadd.s32 $0xFFFFD900  }
0x73: {  	[hbm:s26], [sflag:s25] =	dma.local @!p0 [spmem:s23], $0x100  }
.Ltmp3:
0x74: {  	_ = 	snop;
	(pc) =	sbr.rel @p1 .LBB2_1-.Ltmp3, $4  }
0x75: {  	s25 =	simm.s32 @!p0 $0x2  }
0x76: {  	_ =	swait.ge @!p0 [sflag:s25], $0x100  }
0x77: {  	[sflag:s25] =	ssyncset.done @!p0 $0x0  }
0x78: {  	[sflag:s25] =	ssyncadd.s32 @!p0 $0xFFFFFF00  }
0x79: {  	_ =	sfence.sel $0x180000  }
0x7a: {  	[bflag:$0x0] =	sbarrier.arrive $0xFFFF  }
0x7b: {  	p0 =	sne.s32 s2, $0x0;
	_ =	strace $0x90000047  }
0x7c: {  	s0 =	sadd.s32 @!p0 $0x100000, s0;
	[bflag:$0x2] =	sbarrier.arrive $0xFFFF  }
0x7d: {  	[sflag:s0] =	ssyncadd.tile.s32 @!p0 $0x1;
	_ =	shalt  }
.Lfunc_end2:
_tile_overlayer_lowered:
.L_overlay_start_2:
0x7e: {  	(tag) =	ssettag $0x2  }
0x7f: {  	s0 =	rddreg [dreg:$0x0];
	s2 =	stileid.u32  }
0x80: {  	s1 =	rddreg [dreg:$0x1];
	p0 =	sne.s32 s2, $0x0  }
0x81: {  	s3 =	rddreg [dreg:$0x2];
	[bflag:$0x3] =	sbarrier.arrive $0xFFFF;
	s2 =	simm.s32 @!p0 $0x1C02  }
0x82: {  	[timem:s3], [sflag:s2] =	dma.local @!p0 [hbm:s0], s1  }
0x83: {  	s0 =	simm.s32 @!p0 $0x2  }
0x84: {  	_ =	swait.ge @!p0 [sflag:s0], s1  }
0x85: {  	s1 =	ssub.s32 @!p0 $0x0, s1;
	[sflag:s0] =	ssyncset.done @!p0 $0x0  }
0x86: {  	[sflag:s0] =	ssyncadd.s32 @!p0 s1  }
0x87: {  	[bflag:$0x3] =	sbarrier.arrive $0xFFFF  }
0x88: {  	_ =	shalt  }

</sc_bundles>
